<compile_context>
chip_gen: v7x
topology: tpu7x:2x2x1
jax: 0.10.2.dev20260603
libtpu: 0.0.44.dev20260713+nightly
codegen_flags: <defaults>
</compile_context>

<pallas_src>
import functools

import jax
import jax.numpy as jnp
from jax import lax
from jax.experimental import pallas as pl
from jax.experimental.pallas import tpu as pltpu
from jax.experimental.pallas import tpu_sc as plsc

EMBED_DIM = 512
NUM_SURV = 10
N_NODES = 10000
BATCH = 8192
_ROWS_PER_BLK = 1000


_N_PAD = 10240
_MBLK = 512
_MNFULL = N_NODES // _MBLK
_MTAIL = N_NODES - _MNFULL * _MBLK
_NBUF = 4


def _pq_body(w_ref, e_hbm, pq_hbm, pq_acc, ebuf, sems, osem):
    wu = w_ref[:, :EMBED_DIM]
    wv = w_ref[:, EMBED_DIM:]
    dn = (((1,), (1,)), ((), ()))
    nblk = _MNFULL + 1

    def _copy(t):
        rows = _MBLK if t < _MNFULL else _MTAIL
        return pltpu.make_async_copy(
            e_hbm.at[pl.ds(t * _MBLK, rows), :],
            ebuf.at[t % _NBUF, pl.ds(0, rows)],
            sems.at[t % _NBUF],
        )

    for s in range(_NBUF):
        _copy(s).start()
    for t in range(nblk):
        rows = _MBLK if t < _MNFULL else _MTAIL
        _copy(t).wait()
        e = ebuf[t % _NBUF, pl.ds(0, rows)]
        pt = lax.dot_general(wu, e, dn, preferred_element_type=jnp.float32)
        qt = lax.dot_general(wv, e, dn, preferred_element_type=jnp.float32)
        pq_acc[pl.ds(t * _MBLK, rows)] = pt.reshape(rows)
        pq_acc[pl.ds(_N_PAD + t * _MBLK, rows)] = qt.reshape(rows)
        if t + _NBUF < nblk:
            _copy(t + _NBUF).start()
    pltpu.make_async_copy(pq_acc, pq_hbm, osem).start()
    pltpu.make_async_copy(pq_acc, pq_hbm, osem).wait()


def _compute_pq(all_embeddings, w_omega):
    pq = pl.pallas_call(
        _pq_body,
        in_specs=[
            pl.BlockSpec((1, 2 * EMBED_DIM), lambda: (0, 0)),
            pl.BlockSpec(memory_space=pl.ANY),
        ],
        out_specs=pl.BlockSpec(memory_space=pl.ANY),
        out_shape=jax.ShapeDtypeStruct((2 * _N_PAD,), jnp.float32),
        scratch_shapes=[
            pltpu.VMEM((2 * _N_PAD,), jnp.float32),
            pltpu.VMEM((_NBUF, _MBLK, EMBED_DIM), jnp.float32),
            pltpu.SemaphoreType.DMA((_NBUF,)),
            pltpu.SemaphoreType.DMA,
        ],
    )(w_omega, all_embeddings)
    return pq


def _sc_mesh():
    mesh = plsc.VectorSubcoreMesh(core_axis_name="c", subcore_axis_name="s")
    nw = mesh.num_cores * mesh.num_subcores
    return mesh, nw, BATCH // nw, (BATCH * NUM_SURV) // nw


def _sc_compose(assoc, src, pos_dst, neg_dst_surv, neg_src_surv):
    mesh, nw, nb, ns = _sc_mesh()
    num_cores = mesh.num_cores

    @functools.partial(
        pl.kernel,
        out_type=[
            jax.ShapeDtypeStruct((2 * BATCH,), jnp.int32),
            jax.ShapeDtypeStruct((2 * BATCH * NUM_SURV,), jnp.int32),
        ],
        mesh=mesh,
        compiler_params=pltpu.CompilerParams(needs_layout_passes=False),
        scratch_types=[
            pltpu.VMEM((N_NODES,), jnp.int32),
            pltpu.VMEM((nb,), jnp.int32),
            pltpu.VMEM((nb,), jnp.int32),
            pltpu.VMEM((ns,), jnp.int32),
            pltpu.VMEM((ns,), jnp.int32),
            pltpu.VMEM((2 * nb,), jnp.int32),
            pltpu.VMEM((2 * ns,), jnp.int32),
            pltpu.SemaphoreType.DMA,
            pltpu.SemaphoreType.DMA,
        ],
    )
    def k(assoc_h, src_h, pos_h, negd_h, negs_h,
          olam_h, osurv_h,
          assoc_v, src_v, pos_v, negd_v, negs_v,
          lamb_v, survb_v, sem_in, sem_out):
        wid = lax.axis_index("s") * num_cores + lax.axis_index("c")
        copies = [
            pltpu.async_copy(src_h.at[pl.ds(wid * nb, nb)], src_v, sem_in),
            pltpu.async_copy(pos_h.at[pl.ds(wid * nb, nb)], pos_v, sem_in),
            pltpu.async_copy(negd_h.at[pl.ds(wid * ns, ns)], negd_v, sem_in),
            pltpu.async_copy(negs_h.at[pl.ds(wid * ns, ns)], negs_v, sem_in),
            pltpu.async_copy(assoc_h, assoc_v, sem_in),
        ]
        for c in copies:
            c.wait()

        def lam_body(t, carry):
            for u in range(2):
                base = t * 32 + u * 16
                sl = pl.ds(base, 16)
                lamb_v[sl] = plsc.load_gather(assoc_v, [src_v[sl]])
                lamb_v[pl.ds(nb + base, 16)] = (
                    plsc.load_gather(assoc_v, [pos_v[sl]]) + _N_PAD)
            return carry

        lax.fori_loop(0, nb // 32, lam_body, 0)
        o1 = pltpu.async_copy(
            lamb_v, olam_h.at[pl.ds(wid * 2 * nb, 2 * nb)], sem_out)

        def surv_body(t, carry):
            for u in range(4):
                base = t * 64 + u * 16
                sl = pl.ds(base, 16)
                survb_v[sl] = plsc.load_gather(assoc_v, [negd_v[sl]]) + _N_PAD
                survb_v[pl.ds(ns + base, 16)] = plsc.load_gather(
                    assoc_v, [negs_v[sl]])
            return carry

        lax.fori_loop(0, ns // 64, surv_body, 0)
        o2 = pltpu.async_copy(
            survb_v, osurv_h.at[pl.ds(wid * 2 * ns, 2 * ns)], sem_out)
        o1.wait()
        o2.wait()

    return k(assoc, src, pos_dst, neg_dst_surv, neg_src_surv)


def _sc_logits(pq, lamidx, survidx):
    mesh, nw, nb, ns = _sc_mesh()
    num_cores = mesh.num_cores

    @functools.partial(
        pl.kernel,
        out_type=[
            jax.ShapeDtypeStruct((BATCH,), jnp.float32),
            jax.ShapeDtypeStruct((BATCH * NUM_SURV,), jnp.float32),
            jax.ShapeDtypeStruct((BATCH * NUM_SURV,), jnp.float32),
        ],
        mesh=mesh,
        compiler_params=pltpu.CompilerParams(needs_layout_passes=False),
        scratch_types=[
            pltpu.VMEM((2 * _N_PAD,), jnp.float32),
            pltpu.VMEM((2 * nb,), jnp.int32),
            pltpu.VMEM((2 * ns,), jnp.int32),
            pltpu.VMEM((nb,), jnp.float32),
            pltpu.VMEM((nb,), jnp.float32),
            pltpu.VMEM((nb,), jnp.float32),
            pltpu.VMEM((ns,), jnp.float32),
            pltpu.VMEM((ns,), jnp.float32),
            pltpu.SemaphoreType.DMA,
            pltpu.SemaphoreType.DMA,
            pltpu.SemaphoreType.DMA,
        ],
    )
    def k(pq_h, lamidx_h, survidx_h,
          olam_h, osu_h, osv_h,
          pq_v, lamb_v, survb_v,
          psrc_v, qdst_v, lam_v, su_v, sv_v, sem_lam, sem_surv, sem_out):
        wid = lax.axis_index("s") * num_cores + lax.axis_index("c")
        lam_copies = [
            pltpu.async_copy(
                lamidx_h.at[pl.ds(wid * 2 * nb, 2 * nb)], lamb_v, sem_lam),
            pltpu.async_copy(pq_h, pq_v, sem_lam),
        ]
        surv_copies = [
            pltpu.async_copy(
                survidx_h.at[pl.ds(wid * 2 * ns, 2 * ns)], survb_v, sem_surv),
        ]
        for c in lam_copies:
            c.wait()

        def lam_body(t, carry):
            for u in range(2):
                base = t * 32 + u * 16
                sl = pl.ds(base, 16)
                pe = plsc.load_gather(pq_v, [lamb_v[sl]])
                qe = plsc.load_gather(pq_v, [lamb_v[pl.ds(nb + base, 16)]])
                psrc_v[sl] = pe
                qdst_v[sl] = qe
                lam_v[sl] = pe + qe
            return carry

        lax.fori_loop(0, nb // 32, lam_body, 0)
        out_lam = pltpu.async_copy(lam_v, olam_h.at[pl.ds(wid * nb, nb)], sem_out)
        for c in surv_copies:
            c.wait()

        lane = lax.iota(jnp.int32, 16)

        def surv_body(t, carry):
            for u in range(4):
                base = t * 64 + u * 16
                sl = pl.ds(base, 16)
                jv = lane + base
                ri = lax.shift_right_logical(jv * 6554, 16)
                pe = plsc.load_gather(psrc_v, [ri])
                qe = plsc.load_gather(pq_v, [survb_v[sl]])
                su_v[sl] = pe + qe
                pe2 = plsc.load_gather(pq_v, [survb_v[pl.ds(ns + base, 16)]])
                qe2 = plsc.load_gather(qdst_v, [ri])
                sv_v[sl] = pe2 + qe2
            return carry

        lax.fori_loop(0, ns // 64, surv_body, 0)

        out_su = pltpu.async_copy(su_v, osu_h.at[pl.ds(wid * ns, ns)], sem_out)
        out_sv = pltpu.async_copy(sv_v, osv_h.at[pl.ds(wid * ns, ns)], sem_out)
        out_lam.wait()
        out_su.wait()
        out_sv.wait()

    return k(pq, lamidx, survidx)


def _loss_body(b_ref, psi_ref, slam_ref, ssu_ref, ssv_ref, o1, o2, o3):
    b = b_ref[0]
    psi = psi_ref[0]
    pe = psi + 1e-7
    gl = (slam_ref[...] + b) / pe
    lam = psi * (jnp.log(1.0 + jnp.exp(-gl)) + gl)
    o1[0] = -jnp.sum(jnp.log(lam + 1e-10)) / BATCH
    gu = (ssu_ref[...] + b) / pe
    o2[0] = psi * jnp.sum(jnp.log(1.0 + jnp.exp(-gu)) + gu) / NUM_SURV / BATCH
    gv = (ssv_ref[...] + b) / pe
    o3[0] = psi * jnp.sum(jnp.log(1.0 + jnp.exp(-gv)) + gv) / NUM_SURV / BATCH


def _losses(s_lam, s_su, s_sv, b_omega, psi):
    o1, o2, o3 = pl.pallas_call(
        _loss_body,
        in_specs=[
            pl.BlockSpec(memory_space=pltpu.SMEM),
            pl.BlockSpec(memory_space=pltpu.SMEM),
            pl.BlockSpec((BATCH // 128, 128), lambda: (0, 0)),
            pl.BlockSpec((BATCH * NUM_SURV // 128, 128), lambda: (0, 0)),
            pl.BlockSpec((BATCH * NUM_SURV // 128, 128), lambda: (0, 0)),
        ],
        out_specs=[
            pl.BlockSpec(memory_space=pltpu.SMEM),
            pl.BlockSpec(memory_space=pltpu.SMEM),
            pl.BlockSpec(memory_space=pltpu.SMEM),
        ],
        out_shape=[jax.ShapeDtypeStruct((1,), jnp.float32)] * 3,
    )(
        b_omega, psi,
        s_lam.reshape(BATCH // 128, 128),
        s_su.reshape(BATCH * NUM_SURV // 128, 128),
        s_sv.reshape(BATCH * NUM_SURV // 128, 128),
    )
    return o1[0], o2[0], o3[0]


def kernel(all_embeddings, assoc, src, pos_dst, neg_dst_surv, neg_src_surv,
           W_omega, b_omega, psi):
    assoc_i = assoc.astype(jnp.int32)
    lamidx, survidx = _sc_compose(
        assoc_i, src, pos_dst, neg_dst_surv, neg_src_surv)
    pq = _compute_pq(all_embeddings, W_omega)
    s_lam, s_su, s_sv = _sc_logits(pq, lamidx, survidx)
    return _losses(s_lam, s_su, s_sv, b_omega, psi)

# --- scband reference (transcript-rebuilt; emitter-appended) ---
"""Pipeline reference for scband-dy-rep-decoder-60765197304286 (READ-ONLY COPY).

The authoritative reference and input builder live on the scoring server;
editing this copy changes nothing except your own understanding.
"""

import jax, jax.numpy as jnp
import numpy as np

EMBED_DIM = 512
NUM_SURV = 10
N_NODES = 10000
BATCH = 8192


def setup_inputs(seed: int = 0) -> dict:
    key = jax.random.key(seed)
    ks = jax.random.split(key, 10)
    all_embeddings = jax.random.normal(ks[0], (N_NODES, EMBED_DIM), dtype=jnp.float32)
    assoc = jax.random.randint(ks[1], (N_NODES,), 0, N_NODES, dtype=jnp.int64) if jax.config.jax_enable_x64 else jax.random.randint(ks[1], (N_NODES,), 0, N_NODES, dtype=jnp.int32)
    src = jax.random.randint(ks[2], (BATCH,), 0, N_NODES, dtype=jnp.int32)
    pos_dst = jax.random.randint(ks[3], (BATCH,), 0, N_NODES, dtype=jnp.int32)
    neg_dst_surv = jax.random.randint(ks[4], (BATCH * NUM_SURV,), 0, N_NODES, dtype=jnp.int32)
    neg_src_surv = jax.random.randint(ks[5], (BATCH * NUM_SURV,), 0, N_NODES, dtype=jnp.int32)
    # learned params of DyRepDecoder: omega Linear(2*D -> 1), psi scalar param
    limit = 1.0 / np.sqrt(2 * EMBED_DIM)
    W_omega = jax.random.uniform(ks[6], (1, 2 * EMBED_DIM), dtype=jnp.float32, minval=-limit, maxval=limit)
    b_omega = jax.random.uniform(ks[7], (1,), dtype=jnp.float32, minval=-limit, maxval=limit)
    psi = 0.5 * jnp.ones((1,), dtype=jnp.float32)
    return {
        'all_embeddings': all_embeddings,
        'assoc': assoc,
        'src': src,
        'pos_dst': pos_dst,
        'neg_dst_surv': neg_dst_surv,
        'neg_src_surv': neg_src_surv,
        'W_omega': W_omega,
        'b_omega': b_omega,
        'psi': psi,
    }


def _intensity_lambda(z_u, z_v, W, b, psi):
    z_cat = jnp.concatenate([z_u, z_v], axis=1)
    g = (z_cat @ W.T + b).reshape(-1)
    g_psi = g / (psi[0] + 1e-07)
    return psi[0] * (jnp.log(1.0 + jnp.exp(-g_psi)) + g_psi)


def reference(all_embeddings, assoc, src, pos_dst, neg_dst_surv, neg_src_surv, W_omega, b_omega, psi):
    z_src = all_embeddings[assoc[src]]
    z_dst = all_embeddings[assoc[pos_dst]]
    z_neg_dst_surv = all_embeddings[assoc[neg_dst_surv]]
    z_neg_src_surv = all_embeddings[assoc[neg_src_surv]]

    lambda_uv = _intensity_lambda(z_src, z_dst, W_omega, b_omega, psi)

    z_src_rep = jnp.repeat(z_src, NUM_SURV, axis=0)
    surv_u = _intensity_lambda(z_src_rep, z_neg_dst_surv, W_omega, b_omega, psi)

    z_dst_rep = jnp.repeat(z_dst, NUM_SURV, axis=0)
    surv_v = _intensity_lambda(z_neg_src_surv, z_dst_rep, W_omega, b_omega, psi)

    loss_lambda = -jnp.sum(jnp.log(lambda_uv + 1e-10))
    loss_surv_u = jnp.sum(surv_u) / NUM_SURV
    loss_surv_v = jnp.sum(surv_v) / NUM_SURV
    n = z_src.shape[0]
    return (loss_lambda / n, loss_surv_u / n, loss_surv_v / n)

if __name__ == "__main__":
    import jax
    _d = setup_inputs()
    print(jax.jit(kernel)(*tuple(_d.values())))

</pallas_src>

<mosaic_0001>
#map = affine_map<(d0, d1) -> (0)>
module attributes {stable_mosaic.version = 14 : i64} {
  func.func @k(%arg0: i32, %arg1: i32, %arg2: memref<10000xi32, #tpu.memory_space<hbm>>, %arg3: memref<8192xi32, #tpu.memory_space<hbm>>, %arg4: memref<8192xi32, #tpu.memory_space<hbm>>, %arg5: memref<81920xi32, #tpu.memory_space<hbm>>, %arg6: memref<81920xi32, #tpu.memory_space<hbm>>, %arg7: memref<16384xi32, #tpu.memory_space<hbm>>, %arg8: memref<163840xi32, #tpu.memory_space<hbm>>, %arg9: memref<10000xi32, #tpu.memory_space<vmem>>, %arg10: memref<256xi32, #tpu.memory_space<vmem>>, %arg11: memref<256xi32, #tpu.memory_space<vmem>>, %arg12: memref<2560xi32, #tpu.memory_space<vmem>>, %arg13: memref<2560xi32, #tpu.memory_space<vmem>>, %arg14: memref<512xi32, #tpu.memory_space<vmem>>, %arg15: memref<5120xi32, #tpu.memory_space<vmem>>, %arg16: memref<!tpu.dma_semaphore, #tpu.memory_space<semaphore_mem>>, %arg17: memref<!tpu.dma_semaphore, #tpu.memory_space<semaphore_mem>>) attributes {dimension_semantics = [#tpu.dimension_semantics<core_parallel>, #tpu.dimension_semantics<subcore_parallel>], iteration_bounds = array<i64: 2, 16>, scalar_prefetch = 0 : i64, scratch_operands = 9 : i64, tpu.core_type = #tpu.core_type<sc_vector_subcore>, window_params = [{transform_indices = #map}, {transform_indices = #map}, {transform_indices = #map}, {transform_indices = #map}, {transform_indices = #map}, {transform_indices = #map}, {transform_indices = #map}]} {
    %mul3A = arith.constant 2 : i32
    %mul3A_0 = arith.muli %arg1, %mul3A : i32
    %add3A = arith.addi %mul3A_0, %arg0 : i32
    %mul3A_1 = arith.constant 256 : i32
    %mul3A_2 = arith.muli %add3A, %mul3A_1 : i32
    %dma_start3A = tpu.memref_slice %arg3[%mul3A_2] : memref<8192xi32, #tpu.memory_space<hbm>> -> memref<256xi32, #tpu.memory_space<hbm>>
    %dma_start3A_3 = tpu.memref_slice %arg3[%mul3A_2] : memref<8192xi32, #tpu.memory_space<hbm>> -> memref<256xi32, #tpu.memory_space<hbm>>
    tpu.enqueue_dma source(%dma_start3A_3 : memref<256xi32, #tpu.memory_space<hbm>>) target(%arg10 : memref<256xi32, #tpu.memory_space<vmem>>) target_semaphore(%arg16 : memref<!tpu.dma_semaphore, #tpu.memory_space<semaphore_mem>>)
    %mul3A_4 = arith.constant 256 : i32
    %mul3A_5 = arith.muli %add3A, %mul3A_4 : i32
    %dma_start3A_6 = tpu.memref_slice %arg4[%mul3A_5] : memref<8192xi32, #tpu.memory_space<hbm>> -> memref<256xi32, #tpu.memory_space<hbm>>
    %dma_start3A_7 = tpu.memref_slice %arg4[%mul3A_5] : memref<8192xi32, #tpu.memory_space<hbm>> -> memref<256xi32, #tpu.memory_space<hbm>>
    tpu.enqueue_dma source(%dma_start3A_7 : memref<256xi32, #tpu.memory_space<hbm>>) target(%arg11 : memref<256xi32, #tpu.memory_space<vmem>>) target_semaphore(%arg16 : memref<!tpu.dma_semaphore, #tpu.memory_space<semaphore_mem>>)
    %mul3A_8 = arith.constant 2560 : i32
    %mul3A_9 = arith.muli %add3A, %mul3A_8 : i32
    %dma_start3A_10 = tpu.memref_slice %arg5[%mul3A_9] : memref<81920xi32, #tpu.memory_space<hbm>> -> memref<2560xi32, #tpu.memory_space<hbm>>
    %dma_start3A_11 = tpu.memref_slice %arg5[%mul3A_9] : memref<81920xi32, #tpu.memory_space<hbm>> -> memref<2560xi32, #tpu.memory_space<hbm>>
    tpu.enqueue_dma source(%dma_start3A_11 : memref<2560xi32, #tpu.memory_space<hbm>>) target(%arg12 : memref<2560xi32, #tpu.memory_space<vmem>>) target_semaphore(%arg16 : memref<!tpu.dma_semaphore, #tpu.memory_space<semaphore_mem>>)
    %mul3A_12 = arith.constant 2560 : i32
    %mul3A_13 = arith.muli %add3A, %mul3A_12 : i32
    %dma_start3A_14 = tpu.memref_slice %arg6[%mul3A_13] : memref<81920xi32, #tpu.memory_space<hbm>> -> memref<2560xi32, #tpu.memory_space<hbm>>
    %dma_start3A_15 = tpu.memref_slice %arg6[%mul3A_13] : memref<81920xi32, #tpu.memory_space<hbm>> -> memref<2560xi32, #tpu.memory_space<hbm>>
    tpu.enqueue_dma source(%dma_start3A_15 : memref<2560xi32, #tpu.memory_space<hbm>>) target(%arg13 : memref<2560xi32, #tpu.memory_space<vmem>>) target_semaphore(%arg16 : memref<!tpu.dma_semaphore, #tpu.memory_space<semaphore_mem>>)
    tpu.enqueue_dma source(%arg2 : memref<10000xi32, #tpu.memory_space<hbm>>) target(%arg9 : memref<10000xi32, #tpu.memory_space<vmem>>) target_semaphore(%arg16 : memref<!tpu.dma_semaphore, #tpu.memory_space<semaphore_mem>>)
    %dma_wait3A = tpu.memref_slice %arg3[%mul3A_2] : memref<8192xi32, #tpu.memory_space<hbm>> -> memref<256xi32, #tpu.memory_space<hbm>>
    %dma_wait3A_16 = tpu.memref_slice %arg3[%mul3A_2] : memref<8192xi32, #tpu.memory_space<hbm>> -> memref<256xi32, #tpu.memory_space<hbm>>
    tpu.wait_dma2 semaphore(%arg16 : memref<!tpu.dma_semaphore, #tpu.memory_space<semaphore_mem>>) src(%dma_wait3A_16 : memref<256xi32, #tpu.memory_space<hbm>>) dst(%arg10 : memref<256xi32, #tpu.memory_space<vmem>>)
    %dma_wait3A_17 = tpu.memref_slice %arg4[%mul3A_5] : memref<8192xi32, #tpu.memory_space<hbm>> -> memref<256xi32, #tpu.memory_space<hbm>>
    %dma_wait3A_18 = tpu.memref_slice %arg4[%mul3A_5] : memref<8192xi32, #tpu.memory_space<hbm>> -> memref<256xi32, #tpu.memory_space<hbm>>
    tpu.wait_dma2 semaphore(%arg16 : memref<!tpu.dma_semaphore, #tpu.memory_space<semaphore_mem>>) src(%dma_wait3A_18 : memref<256xi32, #tpu.memory_space<hbm>>) dst(%arg11 : memref<256xi32, #tpu.memory_space<vmem>>)
    %dma_wait3A_19 = tpu.memref_slice %arg5[%mul3A_9] : memref<81920xi32, #tpu.memory_space<hbm>> -> memref<2560xi32, #tpu.memory_space<hbm>>
    %dma_wait3A_20 = tpu.memref_slice %arg5[%mul3A_9] : memref<81920xi32, #tpu.memory_space<hbm>> -> memref<2560xi32, #tpu.memory_space<hbm>>
    tpu.wait_dma2 semaphore(%arg16 : memref<!tpu.dma_semaphore, #tpu.memory_space<semaphore_mem>>) src(%dma_wait3A_20 : memref<2560xi32, #tpu.memory_space<hbm>>) dst(%arg12 : memref<2560xi32, #tpu.memory_space<vmem>>)
    %dma_wait3A_21 = tpu.memref_slice %arg6[%mul3A_13] : memref<81920xi32, #tpu.memory_space<hbm>> -> memref<2560xi32, #tpu.memory_space<hbm>>
    %dma_wait3A_22 = tpu.memref_slice %arg6[%mul3A_13] : memref<81920xi32, #tpu.memory_space<hbm>> -> memref<2560xi32, #tpu.memory_space<hbm>>
    tpu.wait_dma2 semaphore(%arg16 : memref<!tpu.dma_semaphore, #tpu.memory_space<semaphore_mem>>) src(%dma_wait3A_22 : memref<2560xi32, #tpu.memory_space<hbm>>) dst(%arg13 : memref<2560xi32, #tpu.memory_space<vmem>>)
    tpu.wait_dma2 semaphore(%arg16 : memref<!tpu.dma_semaphore, #tpu.memory_space<semaphore_mem>>) src(%arg2 : memref<10000xi32, #tpu.memory_space<hbm>>) dst(%arg9 : memref<10000xi32, #tpu.memory_space<vmem>>)
    %scan3A = arith.constant 0 : i32
    %scan3A_23 = arith.constant 0 : i32
    %scan3A_24 = arith.constant 8 : i32
    %scan3A_25 = arith.addi %scan3A_23, %scan3A_24 : i32
    %scan3A_26 = arith.constant 1 : i32
    scf.for %scan3A_50 = %scan3A_23 to %scan3A_25 step %scan3A_26  : i32 {
      %mul3A_51 = arith.constant 32 : i32
      %mul3A_52 = arith.muli %scan3A_50, %mul3A_51 : i32
      %add3A_53 = arith.constant 0 : i32
      %add3A_54 = arith.addi %mul3A_52, %add3A_53 : i32
      %get3A = arith.index_cast %add3A_54 : i32 to index
      %get3A_55 = tpu.vector_load %arg10[%get3A] {strides = array<i32>} : memref<256xi32, #tpu.memory_space<vmem>>, vector<16xi32>,
      %gather3A = tpu.vector_load_idx %arg9[%get3A_55] : memref<10000xi32, #tpu.memory_space<vmem>>[vector<16xi32>], vector<16xi32>,
      %swap3A = arith.index_cast %add3A_54 : i32 to index
      %swap3A_56 = tpu.vector_load %arg14[%swap3A] {strides = array<i32>} : memref<512xi32, #tpu.memory_space<vmem>>, vector<16xi32>,
      tpu.vector_store %arg14[%swap3A], %gather3A {strides = array<i32>} : memref<512xi32, #tpu.memory_space<vmem>>, vector<16xi32>,
      %get3A_57 = arith.index_cast %add3A_54 : i32 to index
      %get3A_58 = tpu.vector_load %arg11[%get3A_57] {strides = array<i32>} : memref<256xi32, #tpu.memory_space<vmem>>, vector<16xi32>,
      %gather3A_59 = tpu.vector_load_idx %arg9[%get3A_58] : memref<10000xi32, #tpu.memory_space<vmem>>[vector<16xi32>], vector<16xi32>,
      %add3A_60 = arith.constant 10240 : i32
      %add3A_61 = vector.broadcast %add3A_60 : i32 to vector<16xi32>
      %add3A_62 = arith.addi %gather3A_59, %add3A_61 : vector<16xi32>
      %add3A_63 = arith.constant 256 : i32
      %add3A_64 = arith.addi %add3A_63, %add3A_54 : i32
      %swap3A_65 = arith.index_cast %add3A_64 : i32 to index
      %swap3A_66 = tpu.vector_load %arg14[%swap3A_65] {strides = array<i32>} : memref<512xi32, #tpu.memory_space<vmem>>, vector<16xi32>,
      tpu.vector_store %arg14[%swap3A_65], %add3A_62 {strides = array<i32>} : memref<512xi32, #tpu.memory_space<vmem>>, vector<16xi32>,
      %mul3A_67 = arith.constant 32 : i32
      %mul3A_68 = arith.muli %scan3A_50, %mul3A_67 : i32
      %add3A_69 = arith.constant 16 : i32
      %add3A_70 = arith.addi %mul3A_68, %add3A_69 : i32
      %get3A_71 = arith.index_cast %add3A_70 : i32 to index
      %get3A_72 = tpu.vector_load %arg10[%get3A_71] {strides = array<i32>} : memref<256xi32, #tpu.memory_space<vmem>>, vector<16xi32>,
      %gather3A_73 = tpu.vector_load_idx %arg9[%get3A_72] : memref<10000xi32, #tpu.memory_space<vmem>>[vector<16xi32>], vector<16xi32>,
      %swap3A_74 = arith.index_cast %add3A_70 : i32 to index
      %swap3A_75 = tpu.vector_load %arg14[%swap3A_74] {strides = array<i32>} : memref<512xi32, #tpu.memory_space<vmem>>, vector<16xi32>,
      tpu.vector_store %arg14[%swap3A_74], %gather3A_73 {strides = array<i32>} : memref<512xi32, #tpu.memory_space<vmem>>, vector<16xi32>,
      %get3A_76 = arith.index_cast %add3A_70 : i32 to index
      %get3A_77 = tpu.vector_load %arg11[%get3A_76] {strides = array<i32>} : memref<256xi32, #tpu.memory_space<vmem>>, vector<16xi32>,
      %gather3A_78 = tpu.vector_load_idx %arg9[%get3A_77] : memref<10000xi32, #tpu.memory_space<vmem>>[vector<16xi32>], vector<16xi32>,
      %add3A_79 = arith.constant 10240 : i32
      %add3A_80 = vector.broadcast %add3A_79 : i32 to vector<16xi32>
      %add3A_81 = arith.addi %gather3A_78, %add3A_80 : vector<16xi32>
      %add3A_82 = arith.constant 256 : i32
      %add3A_83 = arith.addi %add3A_82, %add3A_70 : i32
      %swap3A_84 = arith.index_cast %add3A_83 : i32 to index
      %swap3A_85 = tpu.vector_load %arg14[%swap3A_84] {strides = array<i32>} : memref<512xi32, #tpu.memory_space<vmem>>, vector<16xi32>,
      tpu.vector_store %arg14[%swap3A_84], %add3A_81 {strides = array<i32>} : memref<512xi32, #tpu.memory_space<vmem>>, vector<16xi32>,
    }
    %scan3A_27 = arith.constant 8 : i32
    %mul3A_28 = arith.constant 2 : i32
    %mul3A_29 = arith.muli %add3A, %mul3A_28 : i32
    %mul3A_30 = arith.constant 256 : i32
    %mul3A_31 = arith.muli %mul3A_29, %mul3A_30 : i32
    %dma_start3A_32 = tpu.memref_slice %arg7[%mul3A_31] : memref<16384xi32, #tpu.memory_space<hbm>> -> memref<512xi32, #tpu.memory_space<hbm>>
    %dma_start3A_33 = tpu.memref_slice %arg7[%mul3A_31] : memref<16384xi32, #tpu.memory_space<hbm>> -> memref<512xi32, #tpu.memory_space<hbm>>
    tpu.enqueue_dma source(%arg14 : memref<512xi32, #tpu.memory_space<vmem>>) target(%dma_start3A_33 : memref<512xi32, #tpu.memory_space<hbm>>) target_semaphore(%arg17 : memref<!tpu.dma_semaphore, #tpu.memory_space<semaphore_mem>>)
    %scan3A_34 = arith.constant 0 : i32
    %scan3A_35 = arith.constant 0 : i32
    %scan3A_36 = arith.constant 40 : i32
    %scan3A_37 = arith.addi %scan3A_35, %scan3A_36 : i32
    %scan3A_38 = arith.constant 1 : i32
    scf.for %scan3A_50 = %scan3A_35 to %scan3A_37 step %scan3A_38  : i32 {
      %mul3A_51 = arith.constant 64 : i32
      %mul3A_52 = arith.muli %scan3A_50, %mul3A_51 : i32
      %add3A_53 = arith.constant 0 : i32
      %add3A_54 = arith.addi %mul3A_52, %add3A_53 : i32
      %get3A = arith.index_cast %add3A_54 : i32 to index
      %get3A_55 = tpu.vector_load %arg12[%get3A] {strides = array<i32>} : memref<2560xi32, #tpu.memory_space<vmem>>, vector<16xi32>,
      %gather3A = tpu.vector_load_idx %arg9[%get3A_55] : memref<10000xi32, #tpu.memory_space<vmem>>[vector<16xi32>], vector<16xi32>,
      %add3A_56 = arith.constant 10240 : i32
      %add3A_57 = vector.broadcast %add3A_56 : i32 to vector<16xi32>
      %add3A_58 = arith.addi %gather3A, %add3A_57 : vector<16xi32>
      %swap3A = arith.index_cast %add3A_54 : i32 to index
      %swap3A_59 = tpu.vector_load %arg15[%swap3A] {strides = array<i32>} : memref<5120xi32, #tpu.memory_space<vmem>>, vector<16xi32>,
      tpu.vector_store %arg15[%swap3A], %add3A_58 {strides = array<i32>} : memref<5120xi32, #tpu.memory_space<vmem>>, vector<16xi32>,
      %get3A_60 = arith.index_cast %add3A_54 : i32 to index
      %get3A_61 = tpu.vector_load %arg13[%get3A_60] {strides = array<i32>} : memref<2560xi32, #tpu.memory_space<vmem>>, vector<16xi32>,
      %gather3A_62 = tpu.vector_load_idx %arg9[%get3A_61] : memref<10000xi32, #tpu.memory_space<vmem>>[vector<16xi32>], vector<16xi32>,
      %add3A_63 = arith.constant 2560 : i32
      %add3A_64 = arith.addi %add3A_63, %add3A_54 : i32
      %swap3A_65 = arith.index_cast %add3A_64 : i32 to index
      %swap3A_66 = tpu.vector_load %arg15[%swap3A_65] {strides = array<i32>} : memref<5120xi32, #tpu.memory_space<vmem>>, vector<16xi32>,
      tpu.vector_store %arg15[%swap3A_65], %gather3A_62 {strides = array<i32>} : memref<5120xi32, #tpu.memory_space<vmem>>, vector<16xi32>,
      %mul3A_67 = arith.constant 64 : i32
      %mul3A_68 = arith.muli %scan3A_50, %mul3A_67 : i32
      %add3A_69 = arith.constant 16 : i32
      %add3A_70 = arith.addi %mul3A_68, %add3A_69 : i32
      %get3A_71 = arith.index_cast %add3A_70 : i32 to index
      %get3A_72 = tpu.vector_load %arg12[%get3A_71] {strides = array<i32>} : memref<2560xi32, #tpu.memory_space<vmem>>, vector<16xi32>,
      %gather3A_73 = tpu.vector_load_idx %arg9[%get3A_72] : memref<10000xi32, #tpu.memory_space<vmem>>[vector<16xi32>], vector<16xi32>,
      %add3A_74 = arith.constant 10240 : i32
      %add3A_75 = vector.broadcast %add3A_74 : i32 to vector<16xi32>
      %add3A_76 = arith.addi %gather3A_73, %add3A_75 : vector<16xi32>
      %swap3A_77 = arith.index_cast %add3A_70 : i32 to index
      %swap3A_78 = tpu.vector_load %arg15[%swap3A_77] {strides = array<i32>} : memref<5120xi32, #tpu.memory_space<vmem>>, vector<16xi32>,
      tpu.vector_store %arg15[%swap3A_77], %add3A_76 {strides = array<i32>} : memref<5120xi32, #tpu.memory_space<vmem>>, vector<16xi32>,
      %get3A_79 = arith.index_cast %add3A_70 : i32 to index
      %get3A_80 = tpu.vector_load %arg13[%get3A_79] {strides = array<i32>} : memref<2560xi32, #tpu.memory_space<vmem>>, vector<16xi32>,
      %gather3A_81 = tpu.vector_load_idx %arg9[%get3A_80] : memref<10000xi32, #tpu.memory_space<vmem>>[vector<16xi32>], vector<16xi32>,
      %add3A_82 = arith.constant 2560 : i32
      %add3A_83 = arith.addi %add3A_82, %add3A_70 : i32
      %swap3A_84 = arith.index_cast %add3A_83 : i32 to index
      %swap3A_85 = tpu.vector_load %arg15[%swap3A_84] {strides = array<i32>} : memref<5120xi32, #tpu.memory_space<vmem>>, vector<16xi32>,
      tpu.vector_store %arg15[%swap3A_84], %gather3A_81 {strides = array<i32>} : memref<5120xi32, #tpu.memory_space<vmem>>, vector<16xi32>,
      %mul3A_86 = arith.constant 64 : i32
      %mul3A_87 = arith.muli %scan3A_50, %mul3A_86 : i32
      %add3A_88 = arith.constant 32 : i32
      %add3A_89 = arith.addi %mul3A_87, %add3A_88 : i32
      %get3A_90 = arith.index_cast %add3A_89 : i32 to index
      %get3A_91 = tpu.vector_load %arg12[%get3A_90] {strides = array<i32>} : memref<2560xi32, #tpu.memory_space<vmem>>, vector<16xi32>,
      %gather3A_92 = tpu.vector_load_idx %arg9[%get3A_91] : memref<10000xi32, #tpu.memory_space<vmem>>[vector<16xi32>], vector<16xi32>,
      %add3A_93 = arith.constant 10240 : i32
      %add3A_94 = vector.broadcast %add3A_93 : i32 to vector<16xi32>
      %add3A_95 = arith.addi %gather3A_92, %add3A_94 : vector<16xi32>
      %swap3A_96 = arith.index_cast %add3A_89 : i32 to index
      %swap3A_97 = tpu.vector_load %arg15[%swap3A_96] {strides = array<i32>} : memref<5120xi32, #tpu.memory_space<vmem>>, vector<16xi32>,
      tpu.vector_store %arg15[%swap3A_96], %add3A_95 {strides = array<i32>} : memref<5120xi32, #tpu.memory_space<vmem>>, vector<16xi32>,
      %get3A_98 = arith.index_cast %add3A_89 : i32 to index
      %get3A_99 = tpu.vector_load %arg13[%get3A_98] {strides = array<i32>} : memref<2560xi32, #tpu.memory_space<vmem>>, vector<16xi32>,
      %gather3A_100 = tpu.vector_load_idx %arg9[%get3A_99] : memref<10000xi32, #tpu.memory_space<vmem>>[vector<16xi32>], vector<16xi32>,
      %add3A_101 = arith.constant 2560 : i32
      %add3A_102 = arith.addi %add3A_101, %add3A_89 : i32
      %swap3A_103 = arith.index_cast %add3A_102 : i32 to index
      %swap3A_104 = tpu.vector_load %arg15[%swap3A_103] {strides = array<i32>} : memref<5120xi32, #tpu.memory_space<vmem>>, vector<16xi32>,
      tpu.vector_store %arg15[%swap3A_103], %gather3A_100 {strides = array<i32>} : memref<5120xi32, #tpu.memory_space<vmem>>, vector<16xi32>,
      %mul3A_105 = arith.constant 64 : i32
      %mul3A_106 = arith.muli %scan3A_50, %mul3A_105 : i32
      %add3A_107 = arith.constant 48 : i32
      %add3A_108 = arith.addi %mul3A_106, %add3A_107 : i32
      %get3A_109 = arith.index_cast %add3A_108 : i32 to index
      %get3A_110 = tpu.vector_load %arg12[%get3A_109] {strides = array<i32>} : memref<2560xi32, #tpu.memory_space<vmem>>, vector<16xi32>,
      %gather3A_111 = tpu.vector_load_idx %arg9[%get3A_110] : memref<10000xi32, #tpu.memory_space<vmem>>[vector<16xi32>], vector<16xi32>,
      %add3A_112 = arith.constant 10240 : i32
      %add3A_113 = vector.broadcast %add3A_112 : i32 to vector<16xi32>
      %add3A_114 = arith.addi %gather3A_111, %add3A_113 : vector<16xi32>
      %swap3A_115 = arith.index_cast %add3A_108 : i32 to index
      %swap3A_116 = tpu.vector_load %arg15[%swap3A_115] {strides = array<i32>} : memref<5120xi32, #tpu.memory_space<vmem>>, vector<16xi32>,
      tpu.vector_store %arg15[%swap3A_115], %add3A_114 {strides = array<i32>} : memref<5120xi32, #tpu.memory_space<vmem>>, vector<16xi32>,
      %get3A_117 = arith.index_cast %add3A_108 : i32 to index
      %get3A_118 = tpu.vector_load %arg13[%get3A_117] {strides = array<i32>} : memref<2560xi32, #tpu.memory_space<vmem>>, vector<16xi32>,
      %gather3A_119 = tpu.vector_load_idx %arg9[%get3A_118] : memref<10000xi32, #tpu.memory_space<vmem>>[vector<16xi32>], vector<16xi32>,
      %add3A_120 = arith.constant 2560 : i32
      %add3A_121 = arith.addi %add3A_120, %add3A_108 : i32
      %swap3A_122 = arith.index_cast %add3A_121 : i32 to index
      %swap3A_123 = tpu.vector_load %arg15[%swap3A_122] {strides = array<i32>} : memref<5120xi32, #tpu.memory_space<vmem>>, vector<16xi32>,
      tpu.vector_store %arg15[%swap3A_122], %gather3A_119 {strides = array<i32>} : memref<5120xi32, #tpu.memory_space<vmem>>, vector<16xi32>,
    }
    %scan3A_39 = arith.constant 40 : i32
    %mul3A_40 = arith.constant 2 : i32
    %mul3A_41 = arith.muli %add3A, %mul3A_40 : i32
    %mul3A_42 = arith.constant 2560 : i32
    %mul3A_43 = arith.muli %mul3A_41, %mul3A_42 : i32
    %dma_start3A_44 = tpu.memref_slice %arg8[%mul3A_43] : memref<163840xi32, #tpu.memory_space<hbm>> -> memref<5120xi32, #tpu.memory_space<hbm>>
    %dma_start3A_45 = tpu.memref_slice %arg8[%mul3A_43] : memref<163840xi32, #tpu.memory_space<hbm>> -> memref<5120xi32, #tpu.memory_space<hbm>>
    tpu.enqueue_dma source(%arg15 : memref<5120xi32, #tpu.memory_space<vmem>>) target(%dma_start3A_45 : memref<5120xi32, #tpu.memory_space<hbm>>) target_semaphore(%arg17 : memref<!tpu.dma_semaphore, #tpu.memory_space<semaphore_mem>>)
    %dma_wait3A_46 = tpu.memref_slice %arg7[%mul3A_31] : memref<16384xi32, #tpu.memory_space<hbm>> -> memref<512xi32, #tpu.memory_space<hbm>>
    %dma_wait3A_47 = tpu.memref_slice %arg7[%mul3A_31] : memref<16384xi32, #tpu.memory_space<hbm>> -> memref<512xi32, #tpu.memory_space<hbm>>
    tpu.wait_dma2 semaphore(%arg17 : memref<!tpu.dma_semaphore, #tpu.memory_space<semaphore_mem>>) src(%arg14 : memref<512xi32, #tpu.memory_space<vmem>>) dst(%dma_wait3A_47 : memref<512xi32, #tpu.memory_space<hbm>>)
    %dma_wait3A_48 = tpu.memref_slice %arg8[%mul3A_43] : memref<163840xi32, #tpu.memory_space<hbm>> -> memref<5120xi32, #tpu.memory_space<hbm>>
    %dma_wait3A_49 = tpu.memref_slice %arg8[%mul3A_43] : memref<163840xi32, #tpu.memory_space<hbm>> -> memref<5120xi32, #tpu.memory_space<hbm>>
    tpu.wait_dma2 semaphore(%arg17 : memref<!tpu.dma_semaphore, #tpu.memory_space<semaphore_mem>>) src(%arg15 : memref<5120xi32, #tpu.memory_space<vmem>>) dst(%dma_wait3A_49 : memref<5120xi32, #tpu.memory_space<hbm>>)
    return
  }
}

#map = affine_map<(d0, d1) -> (0)>
module attributes {stable_mosaic.version = 14 : i64} {
  func.func @k(%arg0: i32, %arg1: i32, %arg2: memref<20480xf32, #tpu.memory_space<hbm>>, %arg3: memref<16384xi32, #tpu.memory_space<hbm>>, %arg4: memref<163840xi32, #tpu.memory_space<hbm>>, %arg5: memref<8192xf32, #tpu.memory_space<hbm>>, %arg6: memref<81920xf32, #tpu.memory_space<hbm>>, %arg7: memref<81920xf32, #tpu.memory_space<hbm>>, %arg8: memref<20480xf32, #tpu.memory_space<vmem>>, %arg9: memref<512xi32, #tpu.memory_space<vmem>>, %arg10: memref<5120xi32, #tpu.memory_space<vmem>>, %arg11: memref<256xf32, #tpu.memory_space<vmem>>, %arg12: memref<256xf32, #tpu.memory_space<vmem>>, %arg13: memref<256xf32, #tpu.memory_space<vmem>>, %arg14: memref<2560xf32, #tpu.memory_space<vmem>>, %arg15: memref<2560xf32, #tpu.memory_space<vmem>>, %arg16: memref<!tpu.dma_semaphore, #tpu.memory_space<semaphore_mem>>, %arg17: memref<!tpu.dma_semaphore, #tpu.memory_space<semaphore_mem>>, %arg18: memref<!tpu.dma_semaphore, #tpu.memory_space<semaphore_mem>>) attributes {dimension_semantics = [#tpu.dimension_semantics<core_parallel>, #tpu.dimension_semantics<subcore_parallel>], iteration_bounds = array<i64: 2, 16>, scalar_prefetch = 0 : i64, scratch_operands = 11 : i64, tpu.core_type = #tpu.core_type<sc_vector_subcore>, window_params = [{transform_indices = #map}, {transform_indices = #map}, {transform_indices = #map}, {transform_indices = #map}, {transform_indices = #map}, {transform_indices = #map}]} {
    %mul3A = arith.constant 2 : i32
    %mul3A_0 = arith.muli %arg1, %mul3A : i32
    %add3A = arith.addi %mul3A_0, %arg0 : i32
    %mul3A_1 = arith.constant 2 : i32
    %mul3A_2 = arith.muli %add3A, %mul3A_1 : i32
    %mul3A_3 = arith.constant 256 : i32
    %mul3A_4 = arith.muli %mul3A_2, %mul3A_3 : i32
    %dma_start3A = tpu.memref_slice %arg3[%mul3A_4] : memref<16384xi32, #tpu.memory_space<hbm>> -> memref<512xi32, #tpu.memory_space<hbm>>
    %dma_start3A_5 = tpu.memref_slice %arg3[%mul3A_4] : memref<16384xi32, #tpu.memory_space<hbm>> -> memref<512xi32, #tpu.memory_space<hbm>>
    tpu.enqueue_dma source(%dma_start3A_5 : memref<512xi32, #tpu.memory_space<hbm>>) target(%arg9 : memref<512xi32, #tpu.memory_space<vmem>>) target_semaphore(%arg16 : memref<!tpu.dma_semaphore, #tpu.memory_space<semaphore_mem>>)
    tpu.enqueue_dma source(%arg2 : memref<20480xf32, #tpu.memory_space<hbm>>) target(%arg8 : memref<20480xf32, #tpu.memory_space<vmem>>) target_semaphore(%arg16 : memref<!tpu.dma_semaphore, #tpu.memory_space<semaphore_mem>>)
    %mul3A_6 = arith.constant 2 : i32
    %mul3A_7 = arith.muli %add3A, %mul3A_6 : i32
    %mul3A_8 = arith.constant 2560 : i32
    %mul3A_9 = arith.muli %mul3A_7, %mul3A_8 : i32
    %dma_start3A_10 = tpu.memref_slice %arg4[%mul3A_9] : memref<163840xi32, #tpu.memory_space<hbm>> -> memref<5120xi32, #tpu.memory_space<hbm>>
    %dma_start3A_11 = tpu.memref_slice %arg4[%mul3A_9] : memref<163840xi32, #tpu.memory_space<hbm>> -> memref<5120xi32, #tpu.memory_space<hbm>>
    tpu.enqueue_dma source(%dma_start3A_11 : memref<5120xi32, #tpu.memory_space<hbm>>) target(%arg10 : memref<5120xi32, #tpu.memory_space<vmem>>) target_semaphore(%arg17 : memref<!tpu.dma_semaphore, #tpu.memory_space<semaphore_mem>>)
    %dma_wait3A = tpu.memref_slice %arg3[%mul3A_4] : memref<16384xi32, #tpu.memory_space<hbm>> -> memref<512xi32, #tpu.memory_space<hbm>>
    %dma_wait3A_12 = tpu.memref_slice %arg3[%mul3A_4] : memref<16384xi32, #tpu.memory_space<hbm>> -> memref<512xi32, #tpu.memory_space<hbm>>
    tpu.wait_dma2 semaphore(%arg16 : memref<!tpu.dma_semaphore, #tpu.memory_space<semaphore_mem>>) src(%dma_wait3A_12 : memref<512xi32, #tpu.memory_space<hbm>>) dst(%arg9 : memref<512xi32, #tpu.memory_space<vmem>>)
    tpu.wait_dma2 semaphore(%arg16 : memref<!tpu.dma_semaphore, #tpu.memory_space<semaphore_mem>>) src(%arg2 : memref<20480xf32, #tpu.memory_space<hbm>>) dst(%arg8 : memref<20480xf32, #tpu.memory_space<vmem>>)
    %scan3A = arith.constant 0 : i32
    %scan3A_13 = arith.constant 0 : i32
    %scan3A_14 = arith.constant 8 : i32
    %scan3A_15 = arith.addi %scan3A_13, %scan3A_14 : i32
    %scan3A_16 = arith.constant 1 : i32
    scf.for %scan3A_44 = %scan3A_13 to %scan3A_15 step %scan3A_16  : i32 {
      %mul3A_45 = arith.constant 32 : i32
      %mul3A_46 = arith.muli %scan3A_44, %mul3A_45 : i32
      %add3A_47 = arith.constant 0 : i32
      %add3A_48 = arith.addi %mul3A_46, %add3A_47 : i32
      %get3A = arith.index_cast %add3A_48 : i32 to index
      %get3A_49 = tpu.vector_load %arg9[%get3A] {strides = array<i32>} : memref<512xi32, #tpu.memory_space<vmem>>, vector<16xi32>,
      %gather3A = tpu.vector_load_idx %arg8[%get3A_49] : memref<20480xf32, #tpu.memory_space<vmem>>[vector<16xi32>], vector<16xf32>,
      %add3A_50 = arith.constant 256 : i32
      %add3A_51 = arith.addi %add3A_50, %add3A_48 : i32
      %get3A_52 = arith.index_cast %add3A_51 : i32 to index
      %get3A_53 = tpu.vector_load %arg9[%get3A_52] {strides = array<i32>} : memref<512xi32, #tpu.memory_space<vmem>>, vector<16xi32>,
      %gather3A_54 = tpu.vector_load_idx %arg8[%get3A_53] : memref<20480xf32, #tpu.memory_space<vmem>>[vector<16xi32>], vector<16xf32>,
      %swap3A = arith.index_cast %add3A_48 : i32 to index
      %swap3A_55 = tpu.vector_load %arg11[%swap3A] {strides = array<i32>} : memref<256xf32, #tpu.memory_space<vmem>>, vector<16xf32>,
      tpu.vector_store %arg11[%swap3A], %gather3A {strides = array<i32>} : memref<256xf32, #tpu.memory_space<vmem>>, vector<16xf32>,
      %swap3A_56 = arith.index_cast %add3A_48 : i32 to index
      %swap3A_57 = tpu.vector_load %arg12[%swap3A_56] {strides = array<i32>} : memref<256xf32, #tpu.memory_space<vmem>>, vector<16xf32>,
      tpu.vector_store %arg12[%swap3A_56], %gather3A_54 {strides = array<i32>} : memref<256xf32, #tpu.memory_space<vmem>>, vector<16xf32>,
      %add3A_58 = arith.addf %gather3A, %gather3A_54 : vector<16xf32>
      %swap3A_59 = arith.index_cast %add3A_48 : i32 to index
      %swap3A_60 = tpu.vector_load %arg13[%swap3A_59] {strides = array<i32>} : memref<256xf32, #tpu.memory_space<vmem>>, vector<16xf32>,
      tpu.vector_store %arg13[%swap3A_59], %add3A_58 {strides = array<i32>} : memref<256xf32, #tpu.memory_space<vmem>>, vector<16xf32>,
      %mul3A_61 = arith.constant 32 : i32
      %mul3A_62 = arith.muli %scan3A_44, %mul3A_61 : i32
      %add3A_63 = arith.constant 16 : i32
      %add3A_64 = arith.addi %mul3A_62, %add3A_63 : i32
      %get3A_65 = arith.index_cast %add3A_64 : i32 to index
      %get3A_66 = tpu.vector_load %arg9[%get3A_65] {strides = array<i32>} : memref<512xi32, #tpu.memory_space<vmem>>, vector<16xi32>,
      %gather3A_67 = tpu.vector_load_idx %arg8[%get3A_66] : memref<20480xf32, #tpu.memory_space<vmem>>[vector<16xi32>], vector<16xf32>,
      %add3A_68 = arith.constant 256 : i32
      %add3A_69 = arith.addi %add3A_68, %add3A_64 : i32
      %get3A_70 = arith.index_cast %add3A_69 : i32 to index
      %get3A_71 = tpu.vector_load %arg9[%get3A_70] {strides = array<i32>} : memref<512xi32, #tpu.memory_space<vmem>>, vector<16xi32>,
      %gather3A_72 = tpu.vector_load_idx %arg8[%get3A_71] : memref<20480xf32, #tpu.memory_space<vmem>>[vector<16xi32>], vector<16xf32>,
      %swap3A_73 = arith.index_cast %add3A_64 : i32 to index
      %swap3A_74 = tpu.vector_load %arg11[%swap3A_73] {strides = array<i32>} : memref<256xf32, #tpu.memory_space<vmem>>, vector<16xf32>,
      tpu.vector_store %arg11[%swap3A_73], %gather3A_67 {strides = array<i32>} : memref<256xf32, #tpu.memory_space<vmem>>, vector<16xf32>,
      %swap3A_75 = arith.index_cast %add3A_64 : i32 to index
      %swap3A_76 = tpu.vector_load %arg12[%swap3A_75] {strides = array<i32>} : memref<256xf32, #tpu.memory_space<vmem>>, vector<16xf32>,
      tpu.vector_store %arg12[%swap3A_75], %gather3A_72 {strides = array<i32>} : memref<256xf32, #tpu.memory_space<vmem>>, vector<16xf32>,
      %add3A_77 = arith.addf %gather3A_67, %gather3A_72 : vector<16xf32>
      %swap3A_78 = arith.index_cast %add3A_64 : i32 to index
      %swap3A_79 = tpu.vector_load %arg13[%swap3A_78] {strides = array<i32>} : memref<256xf32, #tpu.memory_space<vmem>>, vector<16xf32>,
      tpu.vector_store %arg13[%swap3A_78], %add3A_77 {strides = array<i32>} : memref<256xf32, #tpu.memory_space<vmem>>, vector<16xf32>,
    }
    %scan3A_17 = arith.constant 8 : i32
    %mul3A_18 = arith.constant 256 : i32
    %mul3A_19 = arith.muli %add3A, %mul3A_18 : i32
    %dma_start3A_20 = tpu.memref_slice %arg5[%mul3A_19] : memref<8192xf32, #tpu.memory_space<hbm>> -> memref<256xf32, #tpu.memory_space<hbm>>
    %dma_start3A_21 = tpu.memref_slice %arg5[%mul3A_19] : memref<8192xf32, #tpu.memory_space<hbm>> -> memref<256xf32, #tpu.memory_space<hbm>>
    tpu.enqueue_dma source(%arg13 : memref<256xf32, #tpu.memory_space<vmem>>) target(%dma_start3A_21 : memref<256xf32, #tpu.memory_space<hbm>>) target_semaphore(%arg18 : memref<!tpu.dma_semaphore, #tpu.memory_space<semaphore_mem>>)
    %dma_wait3A_22 = tpu.memref_slice %arg4[%mul3A_9] : memref<163840xi32, #tpu.memory_space<hbm>> -> memref<5120xi32, #tpu.memory_space<hbm>>
    %dma_wait3A_23 = tpu.memref_slice %arg4[%mul3A_9] : memref<163840xi32, #tpu.memory_space<hbm>> -> memref<5120xi32, #tpu.memory_space<hbm>>
    tpu.wait_dma2 semaphore(%arg17 : memref<!tpu.dma_semaphore, #tpu.memory_space<semaphore_mem>>) src(%dma_wait3A_23 : memref<5120xi32, #tpu.memory_space<hbm>>) dst(%arg10 : memref<5120xi32, #tpu.memory_space<vmem>>)
    %iota3A = tpu.iota {dimensions = array<i32: 0>} : vector<16xi32>
    %scan3A_24 = arith.constant 0 : i32
    %scan3A_25 = arith.constant 0 : i32
    %scan3A_26 = arith.constant 40 : i32
    %scan3A_27 = arith.addi %scan3A_25, %scan3A_26 : i32
    %scan3A_28 = arith.constant 1 : i32
    scf.for %scan3A_44 = %scan3A_25 to %scan3A_27 step %scan3A_28  : i32 {
      %mul3A_45 = arith.constant 64 : i32
      %mul3A_46 = arith.muli %scan3A_44, %mul3A_45 : i32
      %add3A_47 = arith.constant 0 : i32
      %add3A_48 = arith.addi %mul3A_46, %add3A_47 : i32
      %add3A_49 = vector.broadcast %add3A_48 : i32 to vector<16xi32>
      %add3A_50 = arith.addi %iota3A, %add3A_49 : vector<16xi32>
      %mul3A_51 = arith.constant 6554 : i32
      %mul3A_52 = vector.broadcast %mul3A_51 : i32 to vector<16xi32>
      %mul3A_53 = arith.muli %add3A_50, %mul3A_52 : vector<16xi32>
      %shift_right_logical3A = arith.constant 16 : i32
      %shift_right_logical3A_54 = vector.broadcast %shift_right_logical3A : i32 to vector<16xi32>
      %shift_right_logical3A_55 = arith.shrui %mul3A_53, %shift_right_logical3A_54 : vector<16xi32>
      %gather3A = tpu.vector_load_idx %arg11[%shift_right_logical3A_55] : memref<256xf32, #tpu.memory_space<vmem>>[vector<16xi32>], vector<16xf32>,
      %get3A = arith.index_cast %add3A_48 : i32 to index
      %get3A_56 = tpu.vector_load %arg10[%get3A] {strides = array<i32>} : memref<5120xi32, #tpu.memory_space<vmem>>, vector<16xi32>,
      %gather3A_57 = tpu.vector_load_idx %arg8[%get3A_56] : memref<20480xf32, #tpu.memory_space<vmem>>[vector<16xi32>], vector<16xf32>,
      %add3A_58 = arith.addf %gather3A, %gather3A_57 : vector<16xf32>
      %swap3A = arith.index_cast %add3A_48 : i32 to index
      %swap3A_59 = tpu.vector_load %arg14[%swap3A] {strides = array<i32>} : memref<2560xf32, #tpu.memory_space<vmem>>, vector<16xf32>,
      tpu.vector_store %arg14[%swap3A], %add3A_58 {strides = array<i32>} : memref<2560xf32, #tpu.memory_space<vmem>>, vector<16xf32>,
      %add3A_60 = arith.constant 2560 : i32
      %add3A_61 = arith.addi %add3A_60, %add3A_48 : i32
      %get3A_62 = arith.index_cast %add3A_61 : i32 to index
      %get3A_63 = tpu.vector_load %arg10[%get3A_62] {strides = array<i32>} : memref<5120xi32, #tpu.memory_space<vmem>>, vector<16xi32>,
      %gather3A_64 = tpu.vector_load_idx %arg8[%get3A_63] : memref<20480xf32, #tpu.memory_space<vmem>>[vector<16xi32>], vector<16xf32>,
      %gather3A_65 = tpu.vector_load_idx %arg12[%shift_right_logical3A_55] : memref<256xf32, #tpu.memory_space<vmem>>[vector<16xi32>], vector<16xf32>,
      %add3A_66 = arith.addf %gather3A_64, %gather3A_65 : vector<16xf32>
      %swap3A_67 = arith.index_cast %add3A_48 : i32 to index
      %swap3A_68 = tpu.vector_load %arg15[%swap3A_67] {strides = array<i32>} : memref<2560xf32, #tpu.memory_space<vmem>>, vector<16xf32>,
      tpu.vector_store %arg15[%swap3A_67], %add3A_66 {strides = array<i32>} : memref<2560xf32, #tpu.memory_space<vmem>>, vector<16xf32>,
      %mul3A_69 = arith.constant 64 : i32
      %mul3A_70 = arith.muli %scan3A_44, %mul3A_69 : i32
      %add3A_71 = arith.constant 16 : i32
      %add3A_72 = arith.addi %mul3A_70, %add3A_71 : i32
      %add3A_73 = vector.broadcast %add3A_72 : i32 to vector<16xi32>
      %add3A_74 = arith.addi %iota3A, %add3A_73 : vector<16xi32>
      %mul3A_75 = arith.constant 6554 : i32
      %mul3A_76 = vector.broadcast %mul3A_75 : i32 to vector<16xi32>
      %mul3A_77 = arith.muli %add3A_74, %mul3A_76 : vector<16xi32>
      %shift_right_logical3A_78 = arith.constant 16 : i32
      %shift_right_logical3A_79 = vector.broadcast %shift_right_logical3A_78 : i32 to vector<16xi32>
      %shift_right_logical3A_80 = arith.shrui %mul3A_77, %shift_right_logical3A_79 : vector<16xi32>
      %gather3A_81 = tpu.vector_load_idx %arg11[%shift_right_logical3A_80] : memref<256xf32, #tpu.memory_space<vmem>>[vector<16xi32>], vector<16xf32>,
      %get3A_82 = arith.index_cast %add3A_72 : i32 to index
      %get3A_83 = tpu.vector_load %arg10[%get3A_82] {strides = array<i32>} : memref<5120xi32, #tpu.memory_space<vmem>>, vector<16xi32>,
      %gather3A_84 = tpu.vector_load_idx %arg8[%get3A_83] : memref<20480xf32, #tpu.memory_space<vmem>>[vector<16xi32>], vector<16xf32>,
      %add3A_85 = arith.addf %gather3A_81, %gather3A_84 : vector<16xf32>
      %swap3A_86 = arith.index_cast %add3A_72 : i32 to index
      %swap3A_87 = tpu.vector_load %arg14[%swap3A_86] {strides = array<i32>} : memref<2560xf32, #tpu.memory_space<vmem>>, vector<16xf32>,
      tpu.vector_store %arg14[%swap3A_86], %add3A_85 {strides = array<i32>} : memref<2560xf32, #tpu.memory_space<vmem>>, vector<16xf32>,
      %add3A_88 = arith.constant 2560 : i32
      %add3A_89 = arith.addi %add3A_88, %add3A_72 : i32
      %get3A_90 = arith.index_cast %add3A_89 : i32 to index
      %get3A_91 = tpu.vector_load %arg10[%get3A_90] {strides = array<i32>} : memref<5120xi32, #tpu.memory_space<vmem>>, vector<16xi32>,
      %gather3A_92 = tpu.vector_load_idx %arg8[%get3A_91] : memref<20480xf32, #tpu.memory_space<vmem>>[vector<16xi32>], vector<16xf32>,
      %gather3A_93 = tpu.vector_load_idx %arg12[%shift_right_logical3A_80] : memref<256xf32, #tpu.memory_space<vmem>>[vector<16xi32>], vector<16xf32>,
      %add3A_94 = arith.addf %gather3A_92, %gather3A_93 : vector<16xf32>
      %swap3A_95 = arith.index_cast %add3A_72 : i32 to index
      %swap3A_96 = tpu.vector_load %arg15[%swap3A_95] {strides = array<i32>} : memref<2560xf32, #tpu.memory_space<vmem>>, vector<16xf32>,
      tpu.vector_store %arg15[%swap3A_95], %add3A_94 {strides = array<i32>} : memref<2560xf32, #tpu.memory_space<vmem>>, vector<16xf32>,
      %mul3A_97 = arith.constant 64 : i32
      %mul3A_98 = arith.muli %scan3A_44, %mul3A_97 : i32
      %add3A_99 = arith.constant 32 : i32
      %add3A_100 = arith.addi %mul3A_98, %add3A_99 : i32
      %add3A_101 = vector.broadcast %add3A_100 : i32 to vector<16xi32>
      %add3A_102 = arith.addi %iota3A, %add3A_101 : vector<16xi32>
      %mul3A_103 = arith.constant 6554 : i32
      %mul3A_104 = vector.broadcast %mul3A_103 : i32 to vector<16xi32>
      %mul3A_105 = arith.muli %add3A_102, %mul3A_104 : vector<16xi32>
      %shift_right_logical3A_106 = arith.constant 16 : i32
      %shift_right_logical3A_107 = vector.broadcast %shift_right_logical3A_106 : i32 to vector<16xi32>
      %shift_right_logical3A_108 = arith.shrui %mul3A_105, %shift_right_logical3A_107 : vector<16xi32>
      %gather3A_109 = tpu.vector_load_idx %arg11[%shift_right_logical3A_108] : memref<256xf32, #tpu.memory_space<vmem>>[vector<16xi32>], vector<16xf32>,
      %get3A_110 = arith.index_cast %add3A_100 : i32 to index
      %get3A_111 = tpu.vector_load %arg10[%get3A_110] {strides = array<i32>} : memref<5120xi32, #tpu.memory_space<vmem>>, vector<16xi32>,
      %gather3A_112 = tpu.vector_load_idx %arg8[%get3A_111] : memref<20480xf32, #tpu.memory_space<vmem>>[vector<16xi32>], vector<16xf32>,
      %add3A_113 = arith.addf %gather3A_109, %gather3A_112 : vector<16xf32>
      %swap3A_114 = arith.index_cast %add3A_100 : i32 to index
      %swap3A_115 = tpu.vector_load %arg14[%swap3A_114] {strides = array<i32>} : memref<2560xf32, #tpu.memory_space<vmem>>, vector<16xf32>,
      tpu.vector_store %arg14[%swap3A_114], %add3A_113 {strides = array<i32>} : memref<2560xf32, #tpu.memory_space<vmem>>, vector<16xf32>,
      %add3A_116 = arith.constant 2560 : i32
      %add3A_117 = arith.addi %add3A_116, %add3A_100 : i32
      %get3A_118 = arith.index_cast %add3A_117 : i32 to index
      %get3A_119 = tpu.vector_load %arg10[%get3A_118] {strides = array<i32>} : memref<5120xi32, #tpu.memory_space<vmem>>, vector<16xi32>,
      %gather3A_120 = tpu.vector_load_idx %arg8[%get3A_119] : memref<20480xf32, #tpu.memory_space<vmem>>[vector<16xi32>], vector<16xf32>,
      %gather3A_121 = tpu.vector_load_idx %arg12[%shift_right_logical3A_108] : memref<256xf32, #tpu.memory_space<vmem>>[vector<16xi32>], vector<16xf32>,
      %add3A_122 = arith.addf %gather3A_120, %gather3A_121 : vector<16xf32>
      %swap3A_123 = arith.index_cast %add3A_100 : i32 to index
      %swap3A_124 = tpu.vector_load %arg15[%swap3A_123] {strides = array<i32>} : memref<2560xf32, #tpu.memory_space<vmem>>, vector<16xf32>,
      tpu.vector_store %arg15[%swap3A_123], %add3A_122 {strides = array<i32>} : memref<2560xf32, #tpu.memory_space<vmem>>, vector<16xf32>,
      %mul3A_125 = arith.constant 64 : i32
      %mul3A_126 = arith.muli %scan3A_44, %mul3A_125 : i32
      %add3A_127 = arith.constant 48 : i32
      %add3A_128 = arith.addi %mul3A_126, %add3A_127 : i32
      %add3A_129 = vector.broadcast %add3A_128 : i32 to vector<16xi32>
      %add3A_130 = arith.addi %iota3A, %add3A_129 : vector<16xi32>
      %mul3A_131 = arith.constant 6554 : i32
      %mul3A_132 = vector.broadcast %mul3A_131 : i32 to vector<16xi32>
      %mul3A_133 = arith.muli %add3A_130, %mul3A_132 : vector<16xi32>
      %shift_right_logical3A_134 = arith.constant 16 : i32
      %shift_right_logical3A_135 = vector.broadcast %shift_right_logical3A_134 : i32 to vector<16xi32>
      %shift_right_logical3A_136 = arith.shrui %mul3A_133, %shift_right_logical3A_135 : vector<16xi32>
      %gather3A_137 = tpu.vector_load_idx %arg11[%shift_right_logical3A_136] : memref<256xf32, #tpu.memory_space<vmem>>[vector<16xi32>], vector<16xf32>,
      %get3A_138 = arith.index_cast %add3A_128 : i32 to index
      %get3A_139 = tpu.vector_load %arg10[%get3A_138] {strides = array<i32>} : memref<5120xi32, #tpu.memory_space<vmem>>, vector<16xi32>,
      %gather3A_140 = tpu.vector_load_idx %arg8[%get3A_139] : memref<20480xf32, #tpu.memory_space<vmem>>[vector<16xi32>], vector<16xf32>,
      %add3A_141 = arith.addf %gather3A_137, %gather3A_140 : vector<16xf32>
      %swap3A_142 = arith.index_cast %add3A_128 : i32 to index
      %swap3A_143 = tpu.vector_load %arg14[%swap3A_142] {strides = array<i32>} : memref<2560xf32, #tpu.memory_space<vmem>>, vector<16xf32>,
      tpu.vector_store %arg14[%swap3A_142], %add3A_141 {strides = array<i32>} : memref<2560xf32, #tpu.memory_space<vmem>>, vector<16xf32>,
      %add3A_144 = arith.constant 2560 : i32
      %add3A_145 = arith.addi %add3A_144, %add3A_128 : i32
      %get3A_146 = arith.index_cast %add3A_145 : i32 to index
      %get3A_147 = tpu.vector_load %arg10[%get3A_146] {strides = array<i32>} : memref<5120xi32, #tpu.memory_space<vmem>>, vector<16xi32>,
      %gather3A_148 = tpu.vector_load_idx %arg8[%get3A_147] : memref<20480xf32, #tpu.memory_space<vmem>>[vector<16xi32>], vector<16xf32>,
      %gather3A_149 = tpu.vector_load_idx %arg12[%shift_right_logical3A_136] : memref<256xf32, #tpu.memory_space<vmem>>[vector<16xi32>], vector<16xf32>,
      %add3A_150 = arith.addf %gather3A_148, %gather3A_149 : vector<16xf32>
      %swap3A_151 = arith.index_cast %add3A_128 : i32 to index
      %swap3A_152 = tpu.vector_load %arg15[%swap3A_151] {strides = array<i32>} : memref<2560xf32, #tpu.memory_space<vmem>>, vector<16xf32>,
      tpu.vector_store %arg15[%swap3A_151], %add3A_150 {strides = array<i32>} : memref<2560xf32, #tpu.memory_space<vmem>>, vector<16xf32>,
    }
    %scan3A_29 = arith.constant 40 : i32
    %mul3A_30 = arith.constant 2560 : i32
    %mul3A_31 = arith.muli %add3A, %mul3A_30 : i32
    %dma_start3A_32 = tpu.memref_slice %arg6[%mul3A_31] : memref<81920xf32, #tpu.memory_space<hbm>> -> memref<2560xf32, #tpu.memory_space<hbm>>
    %dma_start3A_33 = tpu.memref_slice %arg6[%mul3A_31] : memref<81920xf32, #tpu.memory_space<hbm>> -> memref<2560xf32, #tpu.memory_space<hbm>>
    tpu.enqueue_dma source(%arg14 : memref<2560xf32, #tpu.memory_space<vmem>>) target(%dma_start3A_33 : memref<2560xf32, #tpu.memory_space<hbm>>) target_semaphore(%arg18 : memref<!tpu.dma_semaphore, #tpu.memory_space<semaphore_mem>>)
    %mul3A_34 = arith.constant 2560 : i32
    %mul3A_35 = arith.muli %add3A, %mul3A_34 : i32
    %dma_start3A_36 = tpu.memref_slice %arg7[%mul3A_35] : memref<81920xf32, #tpu.memory_space<hbm>> -> memref<2560xf32, #tpu.memory_space<hbm>>
    %dma_start3A_37 = tpu.memref_slice %arg7[%mul3A_35] : memref<81920xf32, #tpu.memory_space<hbm>> -> memref<2560xf32, #tpu.memory_space<hbm>>
    tpu.enqueue_dma source(%arg15 : memref<2560xf32, #tpu.memory_space<vmem>>) target(%dma_start3A_37 : memref<2560xf32, #tpu.memory_space<hbm>>) target_semaphore(%arg18 : memref<!tpu.dma_semaphore, #tpu.memory_space<semaphore_mem>>)
    %dma_wait3A_38 = tpu.memref_slice %arg5[%mul3A_19] : memref<8192xf32, #tpu.memory_space<hbm>> -> memref<256xf32, #tpu.memory_space<hbm>>
    %dma_wait3A_39 = tpu.memref_slice %arg5[%mul3A_19] : memref<8192xf32, #tpu.memory_space<hbm>> -> memref<256xf32, #tpu.memory_space<hbm>>
    tpu.wait_dma2 semaphore(%arg18 : memref<!tpu.dma_semaphore, #tpu.memory_space<semaphore_mem>>) src(%arg13 : memref<256xf32, #tpu.memory_space<vmem>>) dst(%dma_wait3A_39 : memref<256xf32, #tpu.memory_space<hbm>>)
    %dma_wait3A_40 = tpu.memref_slice %arg6[%mul3A_31] : memref<81920xf32, #tpu.memory_space<hbm>> -> memref<2560xf32, #tpu.memory_space<hbm>>
    %dma_wait3A_41 = tpu.memref_slice %arg6[%mul3A_31] : memref<81920xf32, #tpu.memory_space<hbm>> -> memref<2560xf32, #tpu.memory_space<hbm>>
    tpu.wait_dma2 semaphore(%arg18 : memref<!tpu.dma_semaphore, #tpu.memory_space<semaphore_mem>>) src(%arg14 : memref<2560xf32, #tpu.memory_space<vmem>>) dst(%dma_wait3A_41 : memref<2560xf32, #tpu.memory_space<hbm>>)
    %dma_wait3A_42 = tpu.memref_slice %arg7[%mul3A_35] : memref<81920xf32, #tpu.memory_space<hbm>> -> memref<2560xf32, #tpu.memory_space<hbm>>
    %dma_wait3A_43 = tpu.memref_slice %arg7[%mul3A_35] : memref<81920xf32, #tpu.memory_space<hbm>> -> memref<2560xf32, #tpu.memory_space<hbm>>
    tpu.wait_dma2 semaphore(%arg18 : memref<!tpu.dma_semaphore, #tpu.memory_space<semaphore_mem>>) src(%arg15 : memref<2560xf32, #tpu.memory_space<vmem>>) dst(%dma_wait3A_43 : memref<2560xf32, #tpu.memory_space<hbm>>)
    return
  }
}

module attributes {stable_mosaic.version = 14 : i64} {
  func.func @_loss_body(%arg0: memref<1xf32, #tpu.memory_space<smem>>, %arg1: memref<1xf32, #tpu.memory_space<smem>>, %arg2: memref<64x128xf32, #tpu.memory_space<vmem>>, %arg3: memref<640x128xf32, #tpu.memory_space<vmem>>, %arg4: memref<640x128xf32, #tpu.memory_space<vmem>>, %arg5: memref<1xf32, #tpu.memory_space<smem>>, %arg6: memref<1xf32, #tpu.memory_space<smem>>, %arg7: memref<1xf32, #tpu.memory_space<smem>>) attributes {dimension_semantics = [], scalar_prefetch = 0 : i64, scratch_operands = 0 : i64, tpu.core_type = #tpu.core_type<tc>} {
    %get3A = arith.constant 0 : index
    %get3A_0 = memref.load %arg0[%get3A] : memref<1xf32, #tpu.memory_space<smem>>
    %get3A_1 = arith.constant 0 : index
    %get3A_2 = memref.load %arg1[%get3A_1] : memref<1xf32, #tpu.memory_space<smem>>
    %add3A = arith.constant 1.000000e-07 : f32
    %add3A_3 = arith.addf %get3A_2, %add3A : f32
    %get3A_4 = arith.constant 0 : index
    %get3A_5 = arith.constant 0 : index
    %get3A_6 = vector.load %arg2[%get3A_4, %get3A_5] : memref<64x128xf32, #tpu.memory_space<vmem>>, vector<64x128xf32>
    %add3A_7 = vector.broadcast %get3A_0 : f32 to vector<64x128xf32>
    %add3A_8 = arith.addf %get3A_6, %add3A_7 : vector<64x128xf32>
    %div3A = vector.broadcast %add3A_3 : f32 to vector<64x128xf32>
    %div3A_9 = arith.divf %add3A_8, %div3A : vector<64x128xf32>
    %neg3A = arith.constant 0.000000e+00 : f32
    %neg3A_10 = vector.broadcast %neg3A : f32 to vector<64x128xf32>
    %neg3A_11 = arith.subf %neg3A_10, %div3A_9 : vector<64x128xf32>
    %exp3A = math.exp %neg3A_11 : vector<64x128xf32>
    %add3A_12 = arith.constant 1.000000e+00 : f32
    %add3A_13 = vector.broadcast %add3A_12 : f32 to vector<64x128xf32>
    %add3A_14 = arith.addf %add3A_13, %exp3A : vector<64x128xf32>
    %log3A = math.log %add3A_14 : vector<64x128xf32>
    %add3A_15 = arith.addf %log3A, %div3A_9 : vector<64x128xf32>
    %mul3A = vector.broadcast %get3A_2 : f32 to vector<64x128xf32>
    %mul3A_16 = arith.mulf %mul3A, %add3A_15 : vector<64x128xf32>
    %add3A_17 = arith.constant 1.000000e-10 : f32
    %add3A_18 = vector.broadcast %add3A_17 : f32 to vector<64x128xf32>
    %add3A_19 = arith.addf %mul3A_16, %add3A_18 : vector<64x128xf32>
    %log3A_20 = math.log %add3A_19 : vector<64x128xf32>
    %reduce_sum3A = vector.shape_cast %log3A_20 : vector<64x128xf32> to vector<1x64x128xf32>
    %reduce_sum3A_21 = arith.constant dense<0.000000e+00> : vector<1xf32>
    %reduce_sum3A_22 = vector.multi_reduction <add>, %reduce_sum3A, %reduce_sum3A_21 [1, 2] : vector<1x64x128xf32> to vector<1xf32>
    %reduce_sum3A_23 = vector.shape_cast %reduce_sum3A_22 : vector<1xf32> to vector<1x1x1xf32>
    %reduce_sum3A_24 = vector.extract %reduce_sum3A_23[0, 0, 0] : f32 from vector<1x1x1xf32>
    %neg3A_25 = arith.constant 0.000000e+00 : f32
    %neg3A_26 = arith.subf %neg3A_25, %reduce_sum3A_24 : f32
    %div3A_27 = arith.constant 8.192000e+03 : f32
    %div3A_28 = arith.divf %neg3A_26, %div3A_27 : f32
    %swap3A = arith.constant 0 : index
    %swap3A_29 = memref.load %arg5[%swap3A] : memref<1xf32, #tpu.memory_space<smem>>
    memref.store %div3A_28, %arg5[%swap3A] : memref<1xf32, #tpu.memory_space<smem>>
    %get3A_30 = arith.constant 0 : index
    %get3A_31 = arith.constant 0 : index
    %get3A_32 = vector.load %arg3[%get3A_30, %get3A_31] : memref<640x128xf32, #tpu.memory_space<vmem>>, vector<640x128xf32>
    %add3A_33 = vector.broadcast %get3A_0 : f32 to vector<640x128xf32>
    %add3A_34 = arith.addf %get3A_32, %add3A_33 : vector<640x128xf32>
    %div3A_35 = vector.broadcast %add3A_3 : f32 to vector<640x128xf32>
    %div3A_36 = arith.divf %add3A_34, %div3A_35 : vector<640x128xf32>
    %neg3A_37 = arith.constant 0.000000e+00 : f32
    %neg3A_38 = vector.broadcast %neg3A_37 : f32 to vector<640x128xf32>
    %neg3A_39 = arith.subf %neg3A_38, %div3A_36 : vector<640x128xf32>
    %exp3A_40 = math.exp %neg3A_39 : vector<640x128xf32>
    %add3A_41 = arith.constant 1.000000e+00 : f32
    %add3A_42 = vector.broadcast %add3A_41 : f32 to vector<640x128xf32>
    %add3A_43 = arith.addf %add3A_42, %exp3A_40 : vector<640x128xf32>
    %log3A_44 = math.log %add3A_43 : vector<640x128xf32>
    %add3A_45 = arith.addf %log3A_44, %div3A_36 : vector<640x128xf32>
    %reduce_sum3A_46 = vector.shape_cast %add3A_45 : vector<640x128xf32> to vector<1x640x128xf32>
    %reduce_sum3A_47 = arith.constant dense<0.000000e+00> : vector<1xf32>
    %reduce_sum3A_48 = vector.multi_reduction <add>, %reduce_sum3A_46, %reduce_sum3A_47 [1, 2] : vector<1x640x128xf32> to vector<1xf32>
    %reduce_sum3A_49 = vector.shape_cast %reduce_sum3A_48 : vector<1xf32> to vector<1x1x1xf32>
    %reduce_sum3A_50 = vector.extract %reduce_sum3A_49[0, 0, 0] : f32 from vector<1x1x1xf32>
    %mul3A_51 = arith.mulf %get3A_2, %reduce_sum3A_50 : f32
    %div3A_52 = arith.constant 1.000000e+01 : f32
    %div3A_53 = arith.divf %mul3A_51, %div3A_52 : f32
    %div3A_54 = arith.constant 8.192000e+03 : f32
    %div3A_55 = arith.divf %div3A_53, %div3A_54 : f32
    %swap3A_56 = arith.constant 0 : index
    %swap3A_57 = memref.load %arg6[%swap3A_56] : memref<1xf32, #tpu.memory_space<smem>>
    memref.store %div3A_55, %arg6[%swap3A_56] : memref<1xf32, #tpu.memory_space<smem>>
    %get3A_58 = arith.constant 0 : index
    %get3A_59 = arith.constant 0 : index
    %get3A_60 = vector.load %arg4[%get3A_58, %get3A_59] : memref<640x128xf32, #tpu.memory_space<vmem>>, vector<640x128xf32>
    %add3A_61 = vector.broadcast %get3A_0 : f32 to vector<640x128xf32>
    %add3A_62 = arith.addf %get3A_60, %add3A_61 : vector<640x128xf32>
    %div3A_63 = vector.broadcast %add3A_3 : f32 to vector<640x128xf32>
    %div3A_64 = arith.divf %add3A_62, %div3A_63 : vector<640x128xf32>
    %neg3A_65 = arith.constant 0.000000e+00 : f32
    %neg3A_66 = vector.broadcast %neg3A_65 : f32 to vector<640x128xf32>
    %neg3A_67 = arith.subf %neg3A_66, %div3A_64 : vector<640x128xf32>
    %exp3A_68 = math.exp %neg3A_67 : vector<640x128xf32>
    %add3A_69 = arith.constant 1.000000e+00 : f32
    %add3A_70 = vector.broadcast %add3A_69 : f32 to vector<640x128xf32>
    %add3A_71 = arith.addf %add3A_70, %exp3A_68 : vector<640x128xf32>
    %log3A_72 = math.log %add3A_71 : vector<640x128xf32>
    %add3A_73 = arith.addf %log3A_72, %div3A_64 : vector<640x128xf32>
    %reduce_sum3A_74 = vector.shape_cast %add3A_73 : vector<640x128xf32> to vector<1x640x128xf32>
    %reduce_sum3A_75 = arith.constant dense<0.000000e+00> : vector<1xf32>
    %reduce_sum3A_76 = vector.multi_reduction <add>, %reduce_sum3A_74, %reduce_sum3A_75 [1, 2] : vector<1x640x128xf32> to vector<1xf32>
    %reduce_sum3A_77 = vector.shape_cast %reduce_sum3A_76 : vector<1xf32> to vector<1x1x1xf32>
    %reduce_sum3A_78 = vector.extract %reduce_sum3A_77[0, 0, 0] : f32 from vector<1x1x1xf32>
    %mul3A_79 = arith.mulf %get3A_2, %reduce_sum3A_78 : f32
    %div3A_80 = arith.constant 1.000000e+01 : f32
    %div3A_81 = arith.divf %mul3A_79, %div3A_80 : f32
    %div3A_82 = arith.constant 8.192000e+03 : f32
    %div3A_83 = arith.divf %div3A_81, %div3A_82 : f32
    %swap3A_84 = arith.constant 0 : index
    %swap3A_85 = memref.load %arg7[%swap3A_84] : memref<1xf32, #tpu.memory_space<smem>>
    memref.store %div3A_83, %arg7[%swap3A_84] : memref<1xf32, #tpu.memory_space<smem>>
    return
  }
}

module attributes {stable_mosaic.version = 14 : i64} {
  func.func @_pq_body(%arg0: memref<1x1024xf32, #tpu.memory_space<vmem>>, %arg1: memref<10000x512xf32, #tpu.memory_space<any>>, %arg2: memref<20480xf32, #tpu.memory_space<any>>, %arg3: memref<20480xf32, #tpu.memory_space<vmem>>, %arg4: memref<4x512x512xf32, #tpu.memory_space<vmem>>, %arg5: memref<4x!tpu.dma_semaphore, #tpu.memory_space<semaphore_mem>>, %arg6: memref<!tpu.dma_semaphore, #tpu.memory_space<semaphore_mem>>) attributes {dimension_semantics = [], scalar_prefetch = 0 : i64, scratch_operands = 4 : i64, tpu.core_type = #tpu.core_type<tc>} {
    %get3A = arith.constant 0 : index
    %get3A_0 = arith.constant 0 : index
    %get3A_1 = vector.load %arg0[%get3A, %get3A_0] : memref<1x1024xf32, #tpu.memory_space<vmem>>, vector<1x512xf32>
    %get3A_2 = arith.constant 0 : index
    %get3A_3 = arith.constant 512 : index
    %get3A_4 = vector.load %arg0[%get3A_2, %get3A_3] : memref<1x1024xf32, #tpu.memory_space<vmem>>, vector<1x512xf32>
    %dma_start3A = arith.constant 0 : i32
    %dma_start3A_5 = arith.constant 0 : i32
    %dma_start3A_6 = tpu.memref_slice %arg5[%dma_start3A_5] : memref<4x!tpu.dma_semaphore, #tpu.memory_space<semaphore_mem>> -> memref<1x!tpu.dma_semaphore, #tpu.memory_space<semaphore_mem>>
    %dma_start3A_7 = tpu.memref_squeeze %dma_start3A_6 : memref<1x!tpu.dma_semaphore, #tpu.memory_space<semaphore_mem>> -> memref<!tpu.dma_semaphore, #tpu.memory_space<semaphore_mem>>
    %dma_start3A_8 = arith.constant 0 : i32
    %dma_start3A_9 = arith.constant 0 : i32
    %dma_start3A_10 = tpu.memref_slice %arg4[%dma_start3A, %dma_start3A_8, %dma_start3A_9] : memref<4x512x512xf32, #tpu.memory_space<vmem>> -> memref<1x512x512xf32, #tpu.memory_space<vmem>>
    %dma_start3A_11 = tpu.memref_squeeze %dma_start3A_10 : memref<1x512x512xf32, #tpu.memory_space<vmem>> -> memref<512x512xf32, #tpu.memory_space<vmem>>
    %dma_start3A_12 = arith.constant 0 : i32
    %dma_start3A_13 = arith.constant 0 : i32
    %dma_start3A_14 = tpu.memref_slice %arg1[%dma_start3A_12, %dma_start3A_13] : memref<10000x512xf32, #tpu.memory_space<any>> -> memref<512x512xf32, #tpu.memory_space<any>>
    tpu.enqueue_dma source(%dma_start3A_14 : memref<512x512xf32, #tpu.memory_space<any>>) target(%dma_start3A_11 : memref<512x512xf32, #tpu.memory_space<vmem>>) target_semaphore(%dma_start3A_7 : memref<!tpu.dma_semaphore, #tpu.memory_space<semaphore_mem>>)
    %dma_start3A_15 = arith.constant 1 : i32
    %dma_start3A_16 = arith.constant 1 : i32
    %dma_start3A_17 = tpu.memref_slice %arg5[%dma_start3A_16] : memref<4x!tpu.dma_semaphore, #tpu.memory_space<semaphore_mem>> -> memref<1x!tpu.dma_semaphore, #tpu.memory_space<semaphore_mem>>
    %dma_start3A_18 = tpu.memref_squeeze %dma_start3A_17 : memref<1x!tpu.dma_semaphore, #tpu.memory_space<semaphore_mem>> -> memref<!tpu.dma_semaphore, #tpu.memory_space<semaphore_mem>>
    %dma_start3A_19 = arith.constant 0 : i32
    %dma_start3A_20 = arith.constant 0 : i32
    %dma_start3A_21 = tpu.memref_slice %arg4[%dma_start3A_15, %dma_start3A_19, %dma_start3A_20] : memref<4x512x512xf32, #tpu.memory_space<vmem>> -> memref<1x512x512xf32, #tpu.memory_space<vmem>>
    %dma_start3A_22 = tpu.memref_squeeze %dma_start3A_21 : memref<1x512x512xf32, #tpu.memory_space<vmem>> -> memref<512x512xf32, #tpu.memory_space<vmem>>
    %dma_start3A_23 = arith.constant 512 : i32
    %dma_start3A_24 = arith.constant 0 : i32
    %dma_start3A_25 = tpu.memref_slice %arg1[%dma_start3A_23, %dma_start3A_24] : memref<10000x512xf32, #tpu.memory_space<any>> -> memref<512x512xf32, #tpu.memory_space<any>>
    tpu.enqueue_dma source(%dma_start3A_25 : memref<512x512xf32, #tpu.memory_space<any>>) target(%dma_start3A_22 : memref<512x512xf32, #tpu.memory_space<vmem>>) target_semaphore(%dma_start3A_18 : memref<!tpu.dma_semaphore, #tpu.memory_space<semaphore_mem>>)
    %dma_start3A_26 = arith.constant 2 : i32
    %dma_start3A_27 = arith.constant 2 : i32
    %dma_start3A_28 = tpu.memref_slice %arg5[%dma_start3A_27] : memref<4x!tpu.dma_semaphore, #tpu.memory_space<semaphore_mem>> -> memref<1x!tpu.dma_semaphore, #tpu.memory_space<semaphore_mem>>
    %dma_start3A_29 = tpu.memref_squeeze %dma_start3A_28 : memref<1x!tpu.dma_semaphore, #tpu.memory_space<semaphore_mem>> -> memref<!tpu.dma_semaphore, #tpu.memory_space<semaphore_mem>>
    %dma_start3A_30 = arith.constant 0 : i32
    %dma_start3A_31 = arith.constant 0 : i32
    %dma_start3A_32 = tpu.memref_slice %arg4[%dma_start3A_26, %dma_start3A_30, %dma_start3A_31] : memref<4x512x512xf32, #tpu.memory_space<vmem>> -> memref<1x512x512xf32, #tpu.memory_space<vmem>>
    %dma_start3A_33 = tpu.memref_squeeze %dma_start3A_32 : memref<1x512x512xf32, #tpu.memory_space<vmem>> -> memref<512x512xf32, #tpu.memory_space<vmem>>
    %dma_start3A_34 = arith.constant 1024 : i32
    %dma_start3A_35 = arith.constant 0 : i32
    %dma_start3A_36 = tpu.memref_slice %arg1[%dma_start3A_34, %dma_start3A_35] : memref<10000x512xf32, #tpu.memory_space<any>> -> memref<512x512xf32, #tpu.memory_space<any>>
    tpu.enqueue_dma source(%dma_start3A_36 : memref<512x512xf32, #tpu.memory_space<any>>) target(%dma_start3A_33 : memref<512x512xf32, #tpu.memory_space<vmem>>) target_semaphore(%dma_start3A_29 : memref<!tpu.dma_semaphore, #tpu.memory_space<semaphore_mem>>)
    %dma_start3A_37 = arith.constant 3 : i32
    %dma_start3A_38 = arith.constant 3 : i32
    %dma_start3A_39 = tpu.memref_slice %arg5[%dma_start3A_38] : memref<4x!tpu.dma_semaphore, #tpu.memory_space<semaphore_mem>> -> memref<1x!tpu.dma_semaphore, #tpu.memory_space<semaphore_mem>>
    %dma_start3A_40 = tpu.memref_squeeze %dma_start3A_39 : memref<1x!tpu.dma_semaphore, #tpu.memory_space<semaphore_mem>> -> memref<!tpu.dma_semaphore, #tpu.memory_space<semaphore_mem>>
    %dma_start3A_41 = arith.constant 0 : i32
    %dma_start3A_42 = arith.constant 0 : i32
    %dma_start3A_43 = tpu.memref_slice %arg4[%dma_start3A_37, %dma_start3A_41, %dma_start3A_42] : memref<4x512x512xf32, #tpu.memory_space<vmem>> -> memref<1x512x512xf32, #tpu.memory_space<vmem>>
    %dma_start3A_44 = tpu.memref_squeeze %dma_start3A_43 : memref<1x512x512xf32, #tpu.memory_space<vmem>> -> memref<512x512xf32, #tpu.memory_space<vmem>>
    %dma_start3A_45 = arith.constant 1536 : i32
    %dma_start3A_46 = arith.constant 0 : i32
    %dma_start3A_47 = tpu.memref_slice %arg1[%dma_start3A_45, %dma_start3A_46] : memref<10000x512xf32, #tpu.memory_space<any>> -> memref<512x512xf32, #tpu.memory_space<any>>
    tpu.enqueue_dma source(%dma_start3A_47 : memref<512x512xf32, #tpu.memory_space<any>>) target(%dma_start3A_44 : memref<512x512xf32, #tpu.memory_space<vmem>>) target_semaphore(%dma_start3A_40 : memref<!tpu.dma_semaphore, #tpu.memory_space<semaphore_mem>>)
    %dma_wait3A = arith.constant 0 : i32
    %dma_wait3A_48 = arith.constant 0 : i32
    %dma_wait3A_49 = tpu.memref_slice %arg5[%dma_wait3A_48] : memref<4x!tpu.dma_semaphore, #tpu.memory_space<semaphore_mem>> -> memref<1x!tpu.dma_semaphore, #tpu.memory_space<semaphore_mem>>
    %dma_wait3A_50 = tpu.memref_squeeze %dma_wait3A_49 : memref<1x!tpu.dma_semaphore, #tpu.memory_space<semaphore_mem>> -> memref<!tpu.dma_semaphore, #tpu.memory_space<semaphore_mem>>
    %dma_wait3A_51 = arith.constant 0 : i32
    %dma_wait3A_52 = arith.constant 0 : i32
    %dma_wait3A_53 = tpu.memref_slice %arg4[%dma_wait3A, %dma_wait3A_51, %dma_wait3A_52] : memref<4x512x512xf32, #tpu.memory_space<vmem>> -> memref<1x512x512xf32, #tpu.memory_space<vmem>>
    %dma_wait3A_54 = tpu.memref_squeeze %dma_wait3A_53 : memref<1x512x512xf32, #tpu.memory_space<vmem>> -> memref<512x512xf32, #tpu.memory_space<vmem>>
    %dma_wait3A_55 = arith.constant 0 : i32
    %dma_wait3A_56 = arith.constant 0 : i32
    %dma_wait3A_57 = tpu.memref_slice %arg1[%dma_wait3A_55, %dma_wait3A_56] : memref<10000x512xf32, #tpu.memory_space<any>> -> memref<512x512xf32, #tpu.memory_space<any>>
    tpu.wait_dma2 semaphore(%dma_wait3A_50 : memref<!tpu.dma_semaphore, #tpu.memory_space<semaphore_mem>>) src(%dma_wait3A_57 : memref<512x512xf32, #tpu.memory_space<any>>) dst(%dma_wait3A_54 : memref<512x512xf32, #tpu.memory_space<vmem>>)
    %get3A_58 = arith.constant 0 : index
    %get3A_59 = arith.constant 0 : index
    %get3A_60 = arith.constant 0 : index
    %get3A_61 = vector.load %arg4[%get3A_58, %get3A_59, %get3A_60] : memref<4x512x512xf32, #tpu.memory_space<vmem>>, vector<1x512x512xf32>
    %get3A_62 = vector.shape_cast %get3A_61 : vector<1x512x512xf32> to vector<512x512xf32>
    %dot_general3A = arith.constant dense<0.000000e+00> : vector<1x512xf32>
    %dot_general3A_63 = tpu.matmul %get3A_1, %get3A_62, %dot_general3A {dimension_numbers = #tpu.dot_dimension_numbers<[1], [1], [0], [0], [0, 0, 1, 0], [], []>, transpose_lhs_hint = false} : vector<1x512xf32>, vector<512x512xf32>, vector<1x512xf32> -> vector<1x512xf32>
    %dot_general3A_64 = arith.constant dense<0.000000e+00> : vector<1x512xf32>
    %dot_general3A_65 = tpu.matmul %get3A_4, %get3A_62, %dot_general3A_64 {dimension_numbers = #tpu.dot_dimension_numbers<[1], [1], [0], [0], [0, 0, 1, 0], [], []>, transpose_lhs_hint = false} : vector<1x512xf32>, vector<512x512xf32>, vector<1x512xf32> -> vector<1x512xf32>
    %reshape3A = vector.shape_cast %dot_general3A_63 : vector<1x512xf32> to vector<512xf32>
    %swap3A = arith.constant 0 : index
    %swap3A_66 = vector.load %arg3[%swap3A] : memref<20480xf32, #tpu.memory_space<vmem>>, vector<512xf32>
    tpu.vector_store %arg3[%swap3A], %reshape3A {strides = array<i32>} : memref<20480xf32, #tpu.memory_space<vmem>>, vector<512xf32>,
    %reshape3A_67 = vector.shape_cast %dot_general3A_65 : vector<1x512xf32> to vector<512xf32>
    %swap3A_68 = arith.constant 10240 : index
    %swap3A_69 = vector.load %arg3[%swap3A_68] : memref<20480xf32, #tpu.memory_space<vmem>>, vector<512xf32>
    tpu.vector_store %arg3[%swap3A_68], %reshape3A_67 {strides = array<i32>} : memref<20480xf32, #tpu.memory_space<vmem>>, vector<512xf32>,
    %dma_start3A_70 = arith.constant 0 : i32
    %dma_start3A_71 = arith.constant 0 : i32
    %dma_start3A_72 = tpu.memref_slice %arg5[%dma_start3A_71] : memref<4x!tpu.dma_semaphore, #tpu.memory_space<semaphore_mem>> -> memref<1x!tpu.dma_semaphore, #tpu.memory_space<semaphore_mem>>
    %dma_start3A_73 = tpu.memref_squeeze %dma_start3A_72 : memref<1x!tpu.dma_semaphore, #tpu.memory_space<semaphore_mem>> -> memref<!tpu.dma_semaphore, #tpu.memory_space<semaphore_mem>>
    %dma_start3A_74 = arith.constant 0 : i32
    %dma_start3A_75 = arith.constant 0 : i32
    %dma_start3A_76 = tpu.memref_slice %arg4[%dma_start3A_70, %dma_start3A_74, %dma_start3A_75] : memref<4x512x512xf32, #tpu.memory_space<vmem>> -> memref<1x512x512xf32, #tpu.memory_space<vmem>>
    %dma_start3A_77 = tpu.memref_squeeze %dma_start3A_76 : memref<1x512x512xf32, #tpu.memory_space<vmem>> -> memref<512x512xf32, #tpu.memory_space<vmem>>
    %dma_start3A_78 = arith.constant 2048 : i32
    %dma_start3A_79 = arith.constant 0 : i32
    %dma_start3A_80 = tpu.memref_slice %arg1[%dma_start3A_78, %dma_start3A_79] : memref<10000x512xf32, #tpu.memory_space<any>> -> memref<512x512xf32, #tpu.memory_space<any>>
    tpu.enqueue_dma source(%dma_start3A_80 : memref<512x512xf32, #tpu.memory_space<any>>) target(%dma_start3A_77 : memref<512x512xf32, #tpu.memory_space<vmem>>) target_semaphore(%dma_start3A_73 : memref<!tpu.dma_semaphore, #tpu.memory_space<semaphore_mem>>)
    %dma_wait3A_81 = arith.constant 1 : i32
    %dma_wait3A_82 = arith.constant 1 : i32
    %dma_wait3A_83 = tpu.memref_slice %arg5[%dma_wait3A_82] : memref<4x!tpu.dma_semaphore, #tpu.memory_space<semaphore_mem>> -> memref<1x!tpu.dma_semaphore, #tpu.memory_space<semaphore_mem>>
    %dma_wait3A_84 = tpu.memref_squeeze %dma_wait3A_83 : memref<1x!tpu.dma_semaphore, #tpu.memory_space<semaphore_mem>> -> memref<!tpu.dma_semaphore, #tpu.memory_space<semaphore_mem>>
    %dma_wait3A_85 = arith.constant 0 : i32
    %dma_wait3A_86 = arith.constant 0 : i32
    %dma_wait3A_87 = tpu.memref_slice %arg4[%dma_wait3A_81, %dma_wait3A_85, %dma_wait3A_86] : memref<4x512x512xf32, #tpu.memory_space<vmem>> -> memref<1x512x512xf32, #tpu.memory_space<vmem>>
    %dma_wait3A_88 = tpu.memref_squeeze %dma_wait3A_87 : memref<1x512x512xf32, #tpu.memory_space<vmem>> -> memref<512x512xf32, #tpu.memory_space<vmem>>
    %dma_wait3A_89 = arith.constant 512 : i32
    %dma_wait3A_90 = arith.constant 0 : i32
    %dma_wait3A_91 = tpu.memref_slice %arg1[%dma_wait3A_89, %dma_wait3A_90] : memref<10000x512xf32, #tpu.memory_space<any>> -> memref<512x512xf32, #tpu.memory_space<any>>
    tpu.wait_dma2 semaphore(%dma_wait3A_84 : memref<!tpu.dma_semaphore, #tpu.memory_space<semaphore_mem>>) src(%dma_wait3A_91 : memref<512x512xf32, #tpu.memory_space<any>>) dst(%dma_wait3A_88 : memref<512x512xf32, #tpu.memory_space<vmem>>)
    %get3A_92 = arith.constant 1 : index
    %get3A_93 = arith.constant 0 : index
    %get3A_94 = arith.constant 0 : index
    %get3A_95 = vector.load %arg4[%get3A_92, %get3A_93, %get3A_94] : memref<4x512x512xf32, #tpu.memory_space<vmem>>, vector<1x512x512xf32>
    %get3A_96 = vector.shape_cast %get3A_95 : vector<1x512x512xf32> to vector<512x512xf32>
    %dot_general3A_97 = arith.constant dense<0.000000e+00> : vector<1x512xf32>
    %dot_general3A_98 = tpu.matmul %get3A_1, %get3A_96, %dot_general3A_97 {dimension_numbers = #tpu.dot_dimension_numbers<[1], [1], [0], [0], [0, 0, 1, 0], [], []>, transpose_lhs_hint = false} : vector<1x512xf32>, vector<512x512xf32>, vector<1x512xf32> -> vector<1x512xf32>
    %dot_general3A_99 = arith.constant dense<0.000000e+00> : vector<1x512xf32>
    %dot_general3A_100 = tpu.matmul %get3A_4, %get3A_96, %dot_general3A_99 {dimension_numbers = #tpu.dot_dimension_numbers<[1], [1], [0], [0], [0, 0, 1, 0], [], []>, transpose_lhs_hint = false} : vector<1x512xf32>, vector<512x512xf32>, vector<1x512xf32> -> vector<1x512xf32>
    %reshape3A_101 = vector.shape_cast %dot_general3A_98 : vector<1x512xf32> to vector<512xf32>
    %swap3A_102 = arith.constant 512 : index
    %swap3A_103 = vector.load %arg3[%swap3A_102] : memref<20480xf32, #tpu.memory_space<vmem>>, vector<512xf32>
    tpu.vector_store %arg3[%swap3A_102], %reshape3A_101 {strides = array<i32>} : memref<20480xf32, #tpu.memory_space<vmem>>, vector<512xf32>,
    %reshape3A_104 = vector.shape_cast %dot_general3A_100 : vector<1x512xf32> to vector<512xf32>
    %swap3A_105 = arith.constant 10752 : index
    %swap3A_106 = vector.load %arg3[%swap3A_105] : memref<20480xf32, #tpu.memory_space<vmem>>, vector<512xf32>
    tpu.vector_store %arg3[%swap3A_105], %reshape3A_104 {strides = array<i32>} : memref<20480xf32, #tpu.memory_space<vmem>>, vector<512xf32>,
    %dma_start3A_107 = arith.constant 1 : i32
    %dma_start3A_108 = arith.constant 1 : i32
    %dma_start3A_109 = tpu.memref_slice %arg5[%dma_start3A_108] : memref<4x!tpu.dma_semaphore, #tpu.memory_space<semaphore_mem>> -> memref<1x!tpu.dma_semaphore, #tpu.memory_space<semaphore_mem>>
    %dma_start3A_110 = tpu.memref_squeeze %dma_start3A_109 : memref<1x!tpu.dma_semaphore, #tpu.memory_space<semaphore_mem>> -> memref<!tpu.dma_semaphore, #tpu.memory_space<semaphore_mem>>
    %dma_start3A_111 = arith.constant 0 : i32
    %dma_start3A_112 = arith.constant 0 : i32
    %dma_start3A_113 = tpu.memref_slice %arg4[%dma_start3A_107, %dma_start3A_111, %dma_start3A_112] : memref<4x512x512xf32, #tpu.memory_space<vmem>> -> memref<1x512x512xf32, #tpu.memory_space<vmem>>
    %dma_start3A_114 = tpu.memref_squeeze %dma_start3A_113 : memref<1x512x512xf32, #tpu.memory_space<vmem>> -> memref<512x512xf32, #tpu.memory_space<vmem>>
    %dma_start3A_115 = arith.constant 2560 : i32
    %dma_start3A_116 = arith.constant 0 : i32
    %dma_start3A_117 = tpu.memref_slice %arg1[%dma_start3A_115, %dma_start3A_116] : memref<10000x512xf32, #tpu.memory_space<any>> -> memref<512x512xf32, #tpu.memory_space<any>>
    tpu.enqueue_dma source(%dma_start3A_117 : memref<512x512xf32, #tpu.memory_space<any>>) target(%dma_start3A_114 : memref<512x512xf32, #tpu.memory_space<vmem>>) target_semaphore(%dma_start3A_110 : memref<!tpu.dma_semaphore, #tpu.memory_space<semaphore_mem>>)
    %dma_wait3A_118 = arith.constant 2 : i32
    %dma_wait3A_119 = arith.constant 2 : i32
    %dma_wait3A_120 = tpu.memref_slice %arg5[%dma_wait3A_119] : memref<4x!tpu.dma_semaphore, #tpu.memory_space<semaphore_mem>> -> memref<1x!tpu.dma_semaphore, #tpu.memory_space<semaphore_mem>>
    %dma_wait3A_121 = tpu.memref_squeeze %dma_wait3A_120 : memref<1x!tpu.dma_semaphore, #tpu.memory_space<semaphore_mem>> -> memref<!tpu.dma_semaphore, #tpu.memory_space<semaphore_mem>>
    %dma_wait3A_122 = arith.constant 0 : i32
    %dma_wait3A_123 = arith.constant 0 : i32
    %dma_wait3A_124 = tpu.memref_slice %arg4[%dma_wait3A_118, %dma_wait3A_122, %dma_wait3A_123] : memref<4x512x512xf32, #tpu.memory_space<vmem>> -> memref<1x512x512xf32, #tpu.memory_space<vmem>>
    %dma_wait3A_125 = tpu.memref_squeeze %dma_wait3A_124 : memref<1x512x512xf32, #tpu.memory_space<vmem>> -> memref<512x512xf32, #tpu.memory_space<vmem>>
    %dma_wait3A_126 = arith.constant 1024 : i32
    %dma_wait3A_127 = arith.constant 0 : i32
    %dma_wait3A_128 = tpu.memref_slice %arg1[%dma_wait3A_126, %dma_wait3A_127] : memref<10000x512xf32, #tpu.memory_space<any>> -> memref<512x512xf32, #tpu.memory_space<any>>
    tpu.wait_dma2 semaphore(%dma_wait3A_121 : memref<!tpu.dma_semaphore, #tpu.memory_space<semaphore_mem>>) src(%dma_wait3A_128 : memref<512x512xf32, #tpu.memory_space<any>>) dst(%dma_wait3A_125 : memref<512x512xf32, #tpu.memory_space<vmem>>)
    %get3A_129 = arith.constant 2 : index
    %get3A_130 = arith.constant 0 : index
    %get3A_131 = arith.constant 0 : index
    %get3A_132 = vector.load %arg4[%get3A_129, %get3A_130, %get3A_131] : memref<4x512x512xf32, #tpu.memory_space<vmem>>, vector<1x512x512xf32>
    %get3A_133 = vector.shape_cast %get3A_132 : vector<1x512x512xf32> to vector<512x512xf32>
    %dot_general3A_134 = arith.constant dense<0.000000e+00> : vector<1x512xf32>
    %dot_general3A_135 = tpu.matmul %get3A_1, %get3A_133, %dot_general3A_134 {dimension_numbers = #tpu.dot_dimension_numbers<[1], [1], [0], [0], [0, 0, 1, 0], [], []>, transpose_lhs_hint = false} : vector<1x512xf32>, vector<512x512xf32>, vector<1x512xf32> -> vector<1x512xf32>
    %dot_general3A_136 = arith.constant dense<0.000000e+00> : vector<1x512xf32>
    %dot_general3A_137 = tpu.matmul %get3A_4, %get3A_133, %dot_general3A_136 {dimension_numbers = #tpu.dot_dimension_numbers<[1], [1], [0], [0], [0, 0, 1, 0], [], []>, transpose_lhs_hint = false} : vector<1x512xf32>, vector<512x512xf32>, vector<1x512xf32> -> vector<1x512xf32>
    %reshape3A_138 = vector.shape_cast %dot_general3A_135 : vector<1x512xf32> to vector<512xf32>
    %swap3A_139 = arith.constant 1024 : index
    %swap3A_140 = vector.load %arg3[%swap3A_139] : memref<20480xf32, #tpu.memory_space<vmem>>, vector<512xf32>
    tpu.vector_store %arg3[%swap3A_139], %reshape3A_138 {strides = array<i32>} : memref<20480xf32, #tpu.memory_space<vmem>>, vector<512xf32>,
    %reshape3A_141 = vector.shape_cast %dot_general3A_137 : vector<1x512xf32> to vector<512xf32>
    %swap3A_142 = arith.constant 11264 : index
    %swap3A_143 = vector.load %arg3[%swap3A_142] : memref<20480xf32, #tpu.memory_space<vmem>>, vector<512xf32>
    tpu.vector_store %arg3[%swap3A_142], %reshape3A_141 {strides = array<i32>} : memref<20480xf32, #tpu.memory_space<vmem>>, vector<512xf32>,
    %dma_start3A_144 = arith.constant 2 : i32
    %dma_start3A_145 = arith.constant 2 : i32
    %dma_start3A_146 = tpu.memref_slice %arg5[%dma_start3A_145] : memref<4x!tpu.dma_semaphore, #tpu.memory_space<semaphore_mem>> -> memref<1x!tpu.dma_semaphore, #tpu.memory_space<semaphore_mem>>
    %dma_start3A_147 = tpu.memref_squeeze %dma_start3A_146 : memref<1x!tpu.dma_semaphore, #tpu.memory_space<semaphore_mem>> -> memref<!tpu.dma_semaphore, #tpu.memory_space<semaphore_mem>>
    %dma_start3A_148 = arith.constant 0 : i32
    %dma_start3A_149 = arith.constant 0 : i32
    %dma_start3A_150 = tpu.memref_slice %arg4[%dma_start3A_144, %dma_start3A_148, %dma_start3A_149] : memref<4x512x512xf32, #tpu.memory_space<vmem>> -> memref<1x512x512xf32, #tpu.memory_space<vmem>>
    %dma_start3A_151 = tpu.memref_squeeze %dma_start3A_150 : memref<1x512x512xf32, #tpu.memory_space<vmem>> -> memref<512x512xf32, #tpu.memory_space<vmem>>
    %dma_start3A_152 = arith.constant 3072 : i32
    %dma_start3A_153 = arith.constant 0 : i32
    %dma_start3A_154 = tpu.memref_slice %arg1[%dma_start3A_152, %dma_start3A_153] : memref<10000x512xf32, #tpu.memory_space<any>> -> memref<512x512xf32, #tpu.memory_space<any>>
    tpu.enqueue_dma source(%dma_start3A_154 : memref<512x512xf32, #tpu.memory_space<any>>) target(%dma_start3A_151 : memref<512x512xf32, #tpu.memory_space<vmem>>) target_semaphore(%dma_start3A_147 : memref<!tpu.dma_semaphore, #tpu.memory_space<semaphore_mem>>)
    %dma_wait3A_155 = arith.constant 3 : i32
    %dma_wait3A_156 = arith.constant 3 : i32
    %dma_wait3A_157 = tpu.memref_slice %arg5[%dma_wait3A_156] : memref<4x!tpu.dma_semaphore, #tpu.memory_space<semaphore_mem>> -> memref<1x!tpu.dma_semaphore, #tpu.memory_space<semaphore_mem>>
    %dma_wait3A_158 = tpu.memref_squeeze %dma_wait3A_157 : memref<1x!tpu.dma_semaphore, #tpu.memory_space<semaphore_mem>> -> memref<!tpu.dma_semaphore, #tpu.memory_space<semaphore_mem>>
    %dma_wait3A_159 = arith.constant 0 : i32
    %dma_wait3A_160 = arith.constant 0 : i32
    %dma_wait3A_161 = tpu.memref_slice %arg4[%dma_wait3A_155, %dma_wait3A_159, %dma_wait3A_160] : memref<4x512x512xf32, #tpu.memory_space<vmem>> -> memref<1x512x512xf32, #tpu.memory_space<vmem>>
    %dma_wait3A_162 = tpu.memref_squeeze %dma_wait3A_161 : memref<1x512x512xf32, #tpu.memory_space<vmem>> -> memref<512x512xf32, #tpu.memory_space<vmem>>
    %dma_wait3A_163 = arith.constant 1536 : i32
    %dma_wait3A_164 = arith.constant 0 : i32
    %dma_wait3A_165 = tpu.memref_slice %arg1[%dma_wait3A_163, %dma_wait3A_164] : memref<10000x512xf32, #tpu.memory_space<any>> -> memref<512x512xf32, #tpu.memory_space<any>>
    tpu.wait_dma2 semaphore(%dma_wait3A_158 : memref<!tpu.dma_semaphore, #tpu.memory_space<semaphore_mem>>) src(%dma_wait3A_165 : memref<512x512xf32, #tpu.memory_space<any>>) dst(%dma_wait3A_162 : memref<512x512xf32, #tpu.memory_space<vmem>>)
    %get3A_166 = arith.constant 3 : index
    %get3A_167 = arith.constant 0 : index
    %get3A_168 = arith.constant 0 : index
    %get3A_169 = vector.load %arg4[%get3A_166, %get3A_167, %get3A_168] : memref<4x512x512xf32, #tpu.memory_space<vmem>>, vector<1x512x512xf32>
    %get3A_170 = vector.shape_cast %get3A_169 : vector<1x512x512xf32> to vector<512x512xf32>
    %dot_general3A_171 = arith.constant dense<0.000000e+00> : vector<1x512xf32>
    %dot_general3A_172 = tpu.matmul %get3A_1, %get3A_170, %dot_general3A_171 {dimension_numbers = #tpu.dot_dimension_numbers<[1], [1], [0], [0], [0, 0, 1, 0], [], []>, transpose_lhs_hint = false} : vector<1x512xf32>, vector<512x512xf32>, vector<1x512xf32> -> vector<1x512xf32>
    %dot_general3A_173 = arith.constant dense<0.000000e+00> : vector<1x512xf32>
    %dot_general3A_174 = tpu.matmul %get3A_4, %get3A_170, %dot_general3A_173 {dimension_numbers = #tpu.dot_dimension_numbers<[1], [1], [0], [0], [0, 0, 1, 0], [], []>, transpose_lhs_hint = false} : vector<1x512xf32>, vector<512x512xf32>, vector<1x512xf32> -> vector<1x512xf32>
    %reshape3A_175 = vector.shape_cast %dot_general3A_172 : vector<1x512xf32> to vector<512xf32>
    %swap3A_176 = arith.constant 1536 : index
    %swap3A_177 = vector.load %arg3[%swap3A_176] : memref<20480xf32, #tpu.memory_space<vmem>>, vector<512xf32>
    tpu.vector_store %arg3[%swap3A_176], %reshape3A_175 {strides = array<i32>} : memref<20480xf32, #tpu.memory_space<vmem>>, vector<512xf32>,
    %reshape3A_178 = vector.shape_cast %dot_general3A_174 : vector<1x512xf32> to vector<512xf32>
    %swap3A_179 = arith.constant 11776 : index
    %swap3A_180 = vector.load %arg3[%swap3A_179] : memref<20480xf32, #tpu.memory_space<vmem>>, vector<512xf32>
    tpu.vector_store %arg3[%swap3A_179], %reshape3A_178 {strides = array<i32>} : memref<20480xf32, #tpu.memory_space<vmem>>, vector<512xf32>,
    %dma_start3A_181 = arith.constant 3 : i32
    %dma_start3A_182 = arith.constant 3 : i32
    %dma_start3A_183 = tpu.memref_slice %arg5[%dma_start3A_182] : memref<4x!tpu.dma_semaphore, #tpu.memory_space<semaphore_mem>> -> memref<1x!tpu.dma_semaphore, #tpu.memory_space<semaphore_mem>>
    %dma_start3A_184 = tpu.memref_squeeze %dma_start3A_183 : memref<1x!tpu.dma_semaphore, #tpu.memory_space<semaphore_mem>> -> memref<!tpu.dma_semaphore, #tpu.memory_space<semaphore_mem>>
    %dma_start3A_185 = arith.constant 0 : i32
    %dma_start3A_186 = arith.constant 0 : i32
    %dma_start3A_187 = tpu.memref_slice %arg4[%dma_start3A_181, %dma_start3A_185, %dma_start3A_186] : memref<4x512x512xf32, #tpu.memory_space<vmem>> -> memref<1x512x512xf32, #tpu.memory_space<vmem>>
    %dma_start3A_188 = tpu.memref_squeeze %dma_start3A_187 : memref<1x512x512xf32, #tpu.memory_space<vmem>> -> memref<512x512xf32, #tpu.memory_space<vmem>>
    %dma_start3A_189 = arith.constant 3584 : i32
    %dma_start3A_190 = arith.constant 0 : i32
    %dma_start3A_191 = tpu.memref_slice %arg1[%dma_start3A_189, %dma_start3A_190] : memref<10000x512xf32, #tpu.memory_space<any>> -> memref<512x512xf32, #tpu.memory_space<any>>
    tpu.enqueue_dma source(%dma_start3A_191 : memref<512x512xf32, #tpu.memory_space<any>>) target(%dma_start3A_188 : memref<512x512xf32, #tpu.memory_space<vmem>>) target_semaphore(%dma_start3A_184 : memref<!tpu.dma_semaphore, #tpu.memory_space<semaphore_mem>>)
    %dma_wait3A_192 = arith.constant 0 : i32
    %dma_wait3A_193 = arith.constant 0 : i32
    %dma_wait3A_194 = tpu.memref_slice %arg5[%dma_wait3A_193] : memref<4x!tpu.dma_semaphore, #tpu.memory_space<semaphore_mem>> -> memref<1x!tpu.dma_semaphore, #tpu.memory_space<semaphore_mem>>
    %dma_wait3A_195 = tpu.memref_squeeze %dma_wait3A_194 : memref<1x!tpu.dma_semaphore, #tpu.memory_space<semaphore_mem>> -> memref<!tpu.dma_semaphore, #tpu.memory_space<semaphore_mem>>
    %dma_wait3A_196 = arith.constant 0 : i32
    %dma_wait3A_197 = arith.constant 0 : i32
    %dma_wait3A_198 = tpu.memref_slice %arg4[%dma_wait3A_192, %dma_wait3A_196, %dma_wait3A_197] : memref<4x512x512xf32, #tpu.memory_space<vmem>> -> memref<1x512x512xf32, #tpu.memory_space<vmem>>
    %dma_wait3A_199 = tpu.memref_squeeze %dma_wait3A_198 : memref<1x512x512xf32, #tpu.memory_space<vmem>> -> memref<512x512xf32, #tpu.memory_space<vmem>>
    %dma_wait3A_200 = arith.constant 2048 : i32
    %dma_wait3A_201 = arith.constant 0 : i32
    %dma_wait3A_202 = tpu.memref_slice %arg1[%dma_wait3A_200, %dma_wait3A_201] : memref<10000x512xf32, #tpu.memory_space<any>> -> memref<512x512xf32, #tpu.memory_space<any>>
    tpu.wait_dma2 semaphore(%dma_wait3A_195 : memref<!tpu.dma_semaphore, #tpu.memory_space<semaphore_mem>>) src(%dma_wait3A_202 : memref<512x512xf32, #tpu.memory_space<any>>) dst(%dma_wait3A_199 : memref<512x512xf32, #tpu.memory_space<vmem>>)
    %get3A_203 = arith.constant 0 : index
    %get3A_204 = arith.constant 0 : index
    %get3A_205 = arith.constant 0 : index
    %get3A_206 = vector.load %arg4[%get3A_203, %get3A_204, %get3A_205] : memref<4x512x512xf32, #tpu.memory_space<vmem>>, vector<1x512x512xf32>
    %get3A_207 = vector.shape_cast %get3A_206 : vector<1x512x512xf32> to vector<512x512xf32>
    %dot_general3A_208 = arith.constant dense<0.000000e+00> : vector<1x512xf32>
    %dot_general3A_209 = tpu.matmul %get3A_1, %get3A_207, %dot_general3A_208 {dimension_numbers = #tpu.dot_dimension_numbers<[1], [1], [0], [0], [0, 0, 1, 0], [], []>, transpose_lhs_hint = false} : vector<1x512xf32>, vector<512x512xf32>, vector<1x512xf32> -> vector<1x512xf32>
    %dot_general3A_210 = arith.constant dense<0.000000e+00> : vector<1x512xf32>
    %dot_general3A_211 = tpu.matmul %get3A_4, %get3A_207, %dot_general3A_210 {dimension_numbers = #tpu.dot_dimension_numbers<[1], [1], [0], [0], [0, 0, 1, 0], [], []>, transpose_lhs_hint = false} : vector<1x512xf32>, vector<512x512xf32>, vector<1x512xf32> -> vector<1x512xf32>
    %reshape3A_212 = vector.shape_cast %dot_general3A_209 : vector<1x512xf32> to vector<512xf32>
    %swap3A_213 = arith.constant 2048 : index
    %swap3A_214 = vector.load %arg3[%swap3A_213] : memref<20480xf32, #tpu.memory_space<vmem>>, vector<512xf32>
    tpu.vector_store %arg3[%swap3A_213], %reshape3A_212 {strides = array<i32>} : memref<20480xf32, #tpu.memory_space<vmem>>, vector<512xf32>,
    %reshape3A_215 = vector.shape_cast %dot_general3A_211 : vector<1x512xf32> to vector<512xf32>
    %swap3A_216 = arith.constant 12288 : index
    %swap3A_217 = vector.load %arg3[%swap3A_216] : memref<20480xf32, #tpu.memory_space<vmem>>, vector<512xf32>
    tpu.vector_store %arg3[%swap3A_216], %reshape3A_215 {strides = array<i32>} : memref<20480xf32, #tpu.memory_space<vmem>>, vector<512xf32>,
    %dma_start3A_218 = arith.constant 0 : i32
    %dma_start3A_219 = arith.constant 0 : i32
    %dma_start3A_220 = tpu.memref_slice %arg5[%dma_start3A_219] : memref<4x!tpu.dma_semaphore, #tpu.memory_space<semaphore_mem>> -> memref<1x!tpu.dma_semaphore, #tpu.memory_space<semaphore_mem>>
    %dma_start3A_221 = tpu.memref_squeeze %dma_start3A_220 : memref<1x!tpu.dma_semaphore, #tpu.memory_space<semaphore_mem>> -> memref<!tpu.dma_semaphore, #tpu.memory_space<semaphore_mem>>
    %dma_start3A_222 = arith.constant 0 : i32
    %dma_start3A_223 = arith.constant 0 : i32
    %dma_start3A_224 = tpu.memref_slice %arg4[%dma_start3A_218, %dma_start3A_222, %dma_start3A_223] : memref<4x512x512xf32, #tpu.memory_space<vmem>> -> memref<1x512x512xf32, #tpu.memory_space<vmem>>
    %dma_start3A_225 = tpu.memref_squeeze %dma_start3A_224 : memref<1x512x512xf32, #tpu.memory_space<vmem>> -> memref<512x512xf32, #tpu.memory_space<vmem>>
    %dma_start3A_226 = arith.constant 4096 : i32
    %dma_start3A_227 = arith.constant 0 : i32
    %dma_start3A_228 = tpu.memref_slice %arg1[%dma_start3A_226, %dma_start3A_227] : memref<10000x512xf32, #tpu.memory_space<any>> -> memref<512x512xf32, #tpu.memory_space<any>>
    tpu.enqueue_dma source(%dma_start3A_228 : memref<512x512xf32, #tpu.memory_space<any>>) target(%dma_start3A_225 : memref<512x512xf32, #tpu.memory_space<vmem>>) target_semaphore(%dma_start3A_221 : memref<!tpu.dma_semaphore, #tpu.memory_space<semaphore_mem>>)
    %dma_wait3A_229 = arith.constant 1 : i32
    %dma_wait3A_230 = arith.constant 1 : i32
    %dma_wait3A_231 = tpu.memref_slice %arg5[%dma_wait3A_230] : memref<4x!tpu.dma_semaphore, #tpu.memory_space<semaphore_mem>> -> memref<1x!tpu.dma_semaphore, #tpu.memory_space<semaphore_mem>>
    %dma_wait3A_232 = tpu.memref_squeeze %dma_wait3A_231 : memref<1x!tpu.dma_semaphore, #tpu.memory_space<semaphore_mem>> -> memref<!tpu.dma_semaphore, #tpu.memory_space<semaphore_mem>>
    %dma_wait3A_233 = arith.constant 0 : i32
    %dma_wait3A_234 = arith.constant 0 : i32
    %dma_wait3A_235 = tpu.memref_slice %arg4[%dma_wait3A_229, %dma_wait3A_233, %dma_wait3A_234] : memref<4x512x512xf32, #tpu.memory_space<vmem>> -> memref<1x512x512xf32, #tpu.memory_space<vmem>>
    %dma_wait3A_236 = tpu.memref_squeeze %dma_wait3A_235 : memref<1x512x512xf32, #tpu.memory_space<vmem>> -> memref<512x512xf32, #tpu.memory_space<vmem>>
    %dma_wait3A_237 = arith.constant 2560 : i32
    %dma_wait3A_238 = arith.constant 0 : i32
    %dma_wait3A_239 = tpu.memref_slice %arg1[%dma_wait3A_237, %dma_wait3A_238] : memref<10000x512xf32, #tpu.memory_space<any>> -> memref<512x512xf32, #tpu.memory_space<any>>
    tpu.wait_dma2 semaphore(%dma_wait3A_232 : memref<!tpu.dma_semaphore, #tpu.memory_space<semaphore_mem>>) src(%dma_wait3A_239 : memref<512x512xf32, #tpu.memory_space<any>>) dst(%dma_wait3A_236 : memref<512x512xf32, #tpu.memory_space<vmem>>)
    %get3A_240 = arith.constant 1 : index
    %get3A_241 = arith.constant 0 : index
    %get3A_242 = arith.constant 0 : index
    %get3A_243 = vector.load %arg4[%get3A_240, %get3A_241, %get3A_242] : memref<4x512x512xf32, #tpu.memory_space<vmem>>, vector<1x512x512xf32>
    %get3A_244 = vector.shape_cast %get3A_243 : vector<1x512x512xf32> to vector<512x512xf32>
    %dot_general3A_245 = arith.constant dense<0.000000e+00> : vector<1x512xf32>
    %dot_general3A_246 = tpu.matmul %get3A_1, %get3A_244, %dot_general3A_245 {dimension_numbers = #tpu.dot_dimension_numbers<[1], [1], [0], [0], [0, 0, 1, 0], [], []>, transpose_lhs_hint = false} : vector<1x512xf32>, vector<512x512xf32>, vector<1x512xf32> -> vector<1x512xf32>
    %dot_general3A_247 = arith.constant dense<0.000000e+00> : vector<1x512xf32>
    %dot_general3A_248 = tpu.matmul %get3A_4, %get3A_244, %dot_general3A_247 {dimension_numbers = #tpu.dot_dimension_numbers<[1], [1], [0], [0], [0, 0, 1, 0], [], []>, transpose_lhs_hint = false} : vector<1x512xf32>, vector<512x512xf32>, vector<1x512xf32> -> vector<1x512xf32>
    %reshape3A_249 = vector.shape_cast %dot_general3A_246 : vector<1x512xf32> to vector<512xf32>
    %swap3A_250 = arith.constant 2560 : index
    %swap3A_251 = vector.load %arg3[%swap3A_250] : memref<20480xf32, #tpu.memory_space<vmem>>, vector<512xf32>
    tpu.vector_store %arg3[%swap3A_250], %reshape3A_249 {strides = array<i32>} : memref<20480xf32, #tpu.memory_space<vmem>>, vector<512xf32>,
    %reshape3A_252 = vector.shape_cast %dot_general3A_248 : vector<1x512xf32> to vector<512xf32>
    %swap3A_253 = arith.constant 12800 : index
    %swap3A_254 = vector.load %arg3[%swap3A_253] : memref<20480xf32, #tpu.memory_space<vmem>>, vector<512xf32>
    tpu.vector_store %arg3[%swap3A_253], %reshape3A_252 {strides = array<i32>} : memref<20480xf32, #tpu.memory_space<vmem>>, vector<512xf32>,
    %dma_start3A_255 = arith.constant 1 : i32
    %dma_start3A_256 = arith.constant 1 : i32
    %dma_start3A_257 = tpu.memref_slice %arg5[%dma_start3A_256] : memref<4x!tpu.dma_semaphore, #tpu.memory_space<semaphore_mem>> -> memref<1x!tpu.dma_semaphore, #tpu.memory_space<semaphore_mem>>
    %dma_start3A_258 = tpu.memref_squeeze %dma_start3A_257 : memref<1x!tpu.dma_semaphore, #tpu.memory_space<semaphore_mem>> -> memref<!tpu.dma_semaphore, #tpu.memory_space<semaphore_mem>>
    %dma_start3A_259 = arith.constant 0 : i32
    %dma_start3A_260 = arith.constant 0 : i32
    %dma_start3A_261 = tpu.memref_slice %arg4[%dma_start3A_255, %dma_start3A_259, %dma_start3A_260] : memref<4x512x512xf32, #tpu.memory_space<vmem>> -> memref<1x512x512xf32, #tpu.memory_space<vmem>>
    %dma_start3A_262 = tpu.memref_squeeze %dma_start3A_261 : memref<1x512x512xf32, #tpu.memory_space<vmem>> -> memref<512x512xf32, #tpu.memory_space<vmem>>
    %dma_start3A_263 = arith.constant 4608 : i32
    %dma_start3A_264 = arith.constant 0 : i32
    %dma_start3A_265 = tpu.memref_slice %arg1[%dma_start3A_263, %dma_start3A_264] : memref<10000x512xf32, #tpu.memory_space<any>> -> memref<512x512xf32, #tpu.memory_space<any>>
    tpu.enqueue_dma source(%dma_start3A_265 : memref<512x512xf32, #tpu.memory_space<any>>) target(%dma_start3A_262 : memref<512x512xf32, #tpu.memory_space<vmem>>) target_semaphore(%dma_start3A_258 : memref<!tpu.dma_semaphore, #tpu.memory_space<semaphore_mem>>)
    %dma_wait3A_266 = arith.constant 2 : i32
    %dma_wait3A_267 = arith.constant 2 : i32
    %dma_wait3A_268 = tpu.memref_slice %arg5[%dma_wait3A_267] : memref<4x!tpu.dma_semaphore, #tpu.memory_space<semaphore_mem>> -> memref<1x!tpu.dma_semaphore, #tpu.memory_space<semaphore_mem>>
    %dma_wait3A_269 = tpu.memref_squeeze %dma_wait3A_268 : memref<1x!tpu.dma_semaphore, #tpu.memory_space<semaphore_mem>> -> memref<!tpu.dma_semaphore, #tpu.memory_space<semaphore_mem>>
    %dma_wait3A_270 = arith.constant 0 : i32
    %dma_wait3A_271 = arith.constant 0 : i32
    %dma_wait3A_272 = tpu.memref_slice %arg4[%dma_wait3A_266, %dma_wait3A_270, %dma_wait3A_271] : memref<4x512x512xf32, #tpu.memory_space<vmem>> -> memref<1x512x512xf32, #tpu.memory_space<vmem>>
    %dma_wait3A_273 = tpu.memref_squeeze %dma_wait3A_272 : memref<1x512x512xf32, #tpu.memory_space<vmem>> -> memref<512x512xf32, #tpu.memory_space<vmem>>
    %dma_wait3A_274 = arith.constant 3072 : i32
    %dma_wait3A_275 = arith.constant 0 : i32
    %dma_wait3A_276 = tpu.memref_slice %arg1[%dma_wait3A_274, %dma_wait3A_275] : memref<10000x512xf32, #tpu.memory_space<any>> -> memref<512x512xf32, #tpu.memory_space<any>>
    tpu.wait_dma2 semaphore(%dma_wait3A_269 : memref<!tpu.dma_semaphore, #tpu.memory_space<semaphore_mem>>) src(%dma_wait3A_276 : memref<512x512xf32, #tpu.memory_space<any>>) dst(%dma_wait3A_273 : memref<512x512xf32, #tpu.memory_space<vmem>>)
    %get3A_277 = arith.constant 2 : index
    %get3A_278 = arith.constant 0 : index
    %get3A_279 = arith.constant 0 : index
    %get3A_280 = vector.load %arg4[%get3A_277, %get3A_278, %get3A_279] : memref<4x512x512xf32, #tpu.memory_space<vmem>>, vector<1x512x512xf32>
    %get3A_281 = vector.shape_cast %get3A_280 : vector<1x512x512xf32> to vector<512x512xf32>
    %dot_general3A_282 = arith.constant dense<0.000000e+00> : vector<1x512xf32>
    %dot_general3A_283 = tpu.matmul %get3A_1, %get3A_281, %dot_general3A_282 {dimension_numbers = #tpu.dot_dimension_numbers<[1], [1], [0], [0], [0, 0, 1, 0], [], []>, transpose_lhs_hint = false} : vector<1x512xf32>, vector<512x512xf32>, vector<1x512xf32> -> vector<1x512xf32>
    %dot_general3A_284 = arith.constant dense<0.000000e+00> : vector<1x512xf32>
    %dot_general3A_285 = tpu.matmul %get3A_4, %get3A_281, %dot_general3A_284 {dimension_numbers = #tpu.dot_dimension_numbers<[1], [1], [0], [0], [0, 0, 1, 0], [], []>, transpose_lhs_hint = false} : vector<1x512xf32>, vector<512x512xf32>, vector<1x512xf32> -> vector<1x512xf32>
    %reshape3A_286 = vector.shape_cast %dot_general3A_283 : vector<1x512xf32> to vector<512xf32>
    %swap3A_287 = arith.constant 3072 : index
    %swap3A_288 = vector.load %arg3[%swap3A_287] : memref<20480xf32, #tpu.memory_space<vmem>>, vector<512xf32>
    tpu.vector_store %arg3[%swap3A_287], %reshape3A_286 {strides = array<i32>} : memref<20480xf32, #tpu.memory_space<vmem>>, vector<512xf32>,
    %reshape3A_289 = vector.shape_cast %dot_general3A_285 : vector<1x512xf32> to vector<512xf32>
    %swap3A_290 = arith.constant 13312 : index
    %swap3A_291 = vector.load %arg3[%swap3A_290] : memref<20480xf32, #tpu.memory_space<vmem>>, vector<512xf32>
    tpu.vector_store %arg3[%swap3A_290], %reshape3A_289 {strides = array<i32>} : memref<20480xf32, #tpu.memory_space<vmem>>, vector<512xf32>,
    %dma_start3A_292 = arith.constant 2 : i32
    %dma_start3A_293 = arith.constant 2 : i32
    %dma_start3A_294 = tpu.memref_slice %arg5[%dma_start3A_293] : memref<4x!tpu.dma_semaphore, #tpu.memory_space<semaphore_mem>> -> memref<1x!tpu.dma_semaphore, #tpu.memory_space<semaphore_mem>>
    %dma_start3A_295 = tpu.memref_squeeze %dma_start3A_294 : memref<1x!tpu.dma_semaphore, #tpu.memory_space<semaphore_mem>> -> memref<!tpu.dma_semaphore, #tpu.memory_space<semaphore_mem>>
    %dma_start3A_296 = arith.constant 0 : i32
    %dma_start3A_297 = arith.constant 0 : i32
    %dma_start3A_298 = tpu.memref_slice %arg4[%dma_start3A_292, %dma_start3A_296, %dma_start3A_297] : memref<4x512x512xf32, #tpu.memory_space<vmem>> -> memref<1x512x512xf32, #tpu.memory_space<vmem>>
    %dma_start3A_299 = tpu.memref_squeeze %dma_start3A_298 : memref<1x512x512xf32, #tpu.memory_space<vmem>> -> memref<512x512xf32, #tpu.memory_space<vmem>>
    %dma_start3A_300 = arith.constant 5120 : i32
    %dma_start3A_301 = arith.constant 0 : i32
    %dma_start3A_302 = tpu.memref_slice %arg1[%dma_start3A_300, %dma_start3A_301] : memref<10000x512xf32, #tpu.memory_space<any>> -> memref<512x512xf32, #tpu.memory_space<any>>
    tpu.enqueue_dma source(%dma_start3A_302 : memref<512x512xf32, #tpu.memory_space<any>>) target(%dma_start3A_299 : memref<512x512xf32, #tpu.memory_space<vmem>>) target_semaphore(%dma_start3A_295 : memref<!tpu.dma_semaphore, #tpu.memory_space<semaphore_mem>>)
    %dma_wait3A_303 = arith.constant 3 : i32
    %dma_wait3A_304 = arith.constant 3 : i32
    %dma_wait3A_305 = tpu.memref_slice %arg5[%dma_wait3A_304] : memref<4x!tpu.dma_semaphore, #tpu.memory_space<semaphore_mem>> -> memref<1x!tpu.dma_semaphore, #tpu.memory_space<semaphore_mem>>
    %dma_wait3A_306 = tpu.memref_squeeze %dma_wait3A_305 : memref<1x!tpu.dma_semaphore, #tpu.memory_space<semaphore_mem>> -> memref<!tpu.dma_semaphore, #tpu.memory_space<semaphore_mem>>
    %dma_wait3A_307 = arith.constant 0 : i32
    %dma_wait3A_308 = arith.constant 0 : i32
    %dma_wait3A_309 = tpu.memref_slice %arg4[%dma_wait3A_303, %dma_wait3A_307, %dma_wait3A_308] : memref<4x512x512xf32, #tpu.memory_space<vmem>> -> memref<1x512x512xf32, #tpu.memory_space<vmem>>
    %dma_wait3A_310 = tpu.memref_squeeze %dma_wait3A_309 : memref<1x512x512xf32, #tpu.memory_space<vmem>> -> memref<512x512xf32, #tpu.memory_space<vmem>>
    %dma_wait3A_311 = arith.constant 3584 : i32
    %dma_wait3A_312 = arith.constant 0 : i32
    %dma_wait3A_313 = tpu.memref_slice %arg1[%dma_wait3A_311, %dma_wait3A_312] : memref<10000x512xf32, #tpu.memory_space<any>> -> memref<512x512xf32, #tpu.memory_space<any>>
    tpu.wait_dma2 semaphore(%dma_wait3A_306 : memref<!tpu.dma_semaphore, #tpu.memory_space<semaphore_mem>>) src(%dma_wait3A_313 : memref<512x512xf32, #tpu.memory_space<any>>) dst(%dma_wait3A_310 : memref<512x512xf32, #tpu.memory_space<vmem>>)
    %get3A_314 = arith.constant 3 : index
    %get3A_315 = arith.constant 0 : index
    %get3A_316 = arith.constant 0 : index
    %get3A_317 = vector.load %arg4[%get3A_314, %get3A_315, %get3A_316] : memref<4x512x512xf32, #tpu.memory_space<vmem>>, vector<1x512x512xf32>
    %get3A_318 = vector.shape_cast %get3A_317 : vector<1x512x512xf32> to vector<512x512xf32>
    %dot_general3A_319 = arith.constant dense<0.000000e+00> : vector<1x512xf32>
    %dot_general3A_320 = tpu.matmul %get3A_1, %get3A_318, %dot_general3A_319 {dimension_numbers = #tpu.dot_dimension_numbers<[1], [1], [0], [0], [0, 0, 1, 0], [], []>, transpose_lhs_hint = false} : vector<1x512xf32>, vector<512x512xf32>, vector<1x512xf32> -> vector<1x512xf32>
    %dot_general3A_321 = arith.constant dense<0.000000e+00> : vector<1x512xf32>
    %dot_general3A_322 = tpu.matmul %get3A_4, %get3A_318, %dot_general3A_321 {dimension_numbers = #tpu.dot_dimension_numbers<[1], [1], [0], [0], [0, 0, 1, 0], [], []>, transpose_lhs_hint = false} : vector<1x512xf32>, vector<512x512xf32>, vector<1x512xf32> -> vector<1x512xf32>
    %reshape3A_323 = vector.shape_cast %dot_general3A_320 : vector<1x512xf32> to vector<512xf32>
    %swap3A_324 = arith.constant 3584 : index
    %swap3A_325 = vector.load %arg3[%swap3A_324] : memref<20480xf32, #tpu.memory_space<vmem>>, vector<512xf32>
    tpu.vector_store %arg3[%swap3A_324], %reshape3A_323 {strides = array<i32>} : memref<20480xf32, #tpu.memory_space<vmem>>, vector<512xf32>,
    %reshape3A_326 = vector.shape_cast %dot_general3A_322 : vector<1x512xf32> to vector<512xf32>
    %swap3A_327 = arith.constant 13824 : index
    %swap3A_328 = vector.load %arg3[%swap3A_327] : memref<20480xf32, #tpu.memory_space<vmem>>, vector<512xf32>
    tpu.vector_store %arg3[%swap3A_327], %reshape3A_326 {strides = array<i32>} : memref<20480xf32, #tpu.memory_space<vmem>>, vector<512xf32>,
    %dma_start3A_329 = arith.constant 3 : i32
    %dma_start3A_330 = arith.constant 3 : i32
    %dma_start3A_331 = tpu.memref_slice %arg5[%dma_start3A_330] : memref<4x!tpu.dma_semaphore, #tpu.memory_space<semaphore_mem>> -> memref<1x!tpu.dma_semaphore, #tpu.memory_space<semaphore_mem>>
    %dma_start3A_332 = tpu.memref_squeeze %dma_start3A_331 : memref<1x!tpu.dma_semaphore, #tpu.memory_space<semaphore_mem>> -> memref<!tpu.dma_semaphore, #tpu.memory_space<semaphore_mem>>
    %dma_start3A_333 = arith.constant 0 : i32
    %dma_start3A_334 = arith.constant 0 : i32
    %dma_start3A_335 = tpu.memref_slice %arg4[%dma_start3A_329, %dma_start3A_333, %dma_start3A_334] : memref<4x512x512xf32, #tpu.memory_space<vmem>> -> memref<1x512x512xf32, #tpu.memory_space<vmem>>
    %dma_start3A_336 = tpu.memref_squeeze %dma_start3A_335 : memref<1x512x512xf32, #tpu.memory_space<vmem>> -> memref<512x512xf32, #tpu.memory_space<vmem>>
    %dma_start3A_337 = arith.constant 5632 : i32
    %dma_start3A_338 = arith.constant 0 : i32
    %dma_start3A_339 = tpu.memref_slice %arg1[%dma_start3A_337, %dma_start3A_338] : memref<10000x512xf32, #tpu.memory_space<any>> -> memref<512x512xf32, #tpu.memory_space<any>>
    tpu.enqueue_dma source(%dma_start3A_339 : memref<512x512xf32, #tpu.memory_space<any>>) target(%dma_start3A_336 : memref<512x512xf32, #tpu.memory_space<vmem>>) target_semaphore(%dma_start3A_332 : memref<!tpu.dma_semaphore, #tpu.memory_space<semaphore_mem>>)
    %dma_wait3A_340 = arith.constant 0 : i32
    %dma_wait3A_341 = arith.constant 0 : i32
    %dma_wait3A_342 = tpu.memref_slice %arg5[%dma_wait3A_341] : memref<4x!tpu.dma_semaphore, #tpu.memory_space<semaphore_mem>> -> memref<1x!tpu.dma_semaphore, #tpu.memory_space<semaphore_mem>>
    %dma_wait3A_343 = tpu.memref_squeeze %dma_wait3A_342 : memref<1x!tpu.dma_semaphore, #tpu.memory_space<semaphore_mem>> -> memref<!tpu.dma_semaphore, #tpu.memory_space<semaphore_mem>>
    %dma_wait3A_344 = arith.constant 0 : i32
    %dma_wait3A_345 = arith.constant 0 : i32
    %dma_wait3A_346 = tpu.memref_slice %arg4[%dma_wait3A_340, %dma_wait3A_344, %dma_wait3A_345] : memref<4x512x512xf32, #tpu.memory_space<vmem>> -> memref<1x512x512xf32, #tpu.memory_space<vmem>>
    %dma_wait3A_347 = tpu.memref_squeeze %dma_wait3A_346 : memref<1x512x512xf32, #tpu.memory_space<vmem>> -> memref<512x512xf32, #tpu.memory_space<vmem>>
    %dma_wait3A_348 = arith.constant 4096 : i32
    %dma_wait3A_349 = arith.constant 0 : i32
    %dma_wait3A_350 = tpu.memref_slice %arg1[%dma_wait3A_348, %dma_wait3A_349] : memref<10000x512xf32, #tpu.memory_space<any>> -> memref<512x512xf32, #tpu.memory_space<any>>
    tpu.wait_dma2 semaphore(%dma_wait3A_343 : memref<!tpu.dma_semaphore, #tpu.memory_space<semaphore_mem>>) src(%dma_wait3A_350 : memref<512x512xf32, #tpu.memory_space<any>>) dst(%dma_wait3A_347 : memref<512x512xf32, #tpu.memory_space<vmem>>)
    %get3A_351 = arith.constant 0 : index
    %get3A_352 = arith.constant 0 : index
    %get3A_353 = arith.constant 0 : index
    %get3A_354 = vector.load %arg4[%get3A_351, %get3A_352, %get3A_353] : memref<4x512x512xf32, #tpu.memory_space<vmem>>, vector<1x512x512xf32>
    %get3A_355 = vector.shape_cast %get3A_354 : vector<1x512x512xf32> to vector<512x512xf32>
    %dot_general3A_356 = arith.constant dense<0.000000e+00> : vector<1x512xf32>
    %dot_general3A_357 = tpu.matmul %get3A_1, %get3A_355, %dot_general3A_356 {dimension_numbers = #tpu.dot_dimension_numbers<[1], [1], [0], [0], [0, 0, 1, 0], [], []>, transpose_lhs_hint = false} : vector<1x512xf32>, vector<512x512xf32>, vector<1x512xf32> -> vector<1x512xf32>
    %dot_general3A_358 = arith.constant dense<0.000000e+00> : vector<1x512xf32>
    %dot_general3A_359 = tpu.matmul %get3A_4, %get3A_355, %dot_general3A_358 {dimension_numbers = #tpu.dot_dimension_numbers<[1], [1], [0], [0], [0, 0, 1, 0], [], []>, transpose_lhs_hint = false} : vector<1x512xf32>, vector<512x512xf32>, vector<1x512xf32> -> vector<1x512xf32>
    %reshape3A_360 = vector.shape_cast %dot_general3A_357 : vector<1x512xf32> to vector<512xf32>
    %swap3A_361 = arith.constant 4096 : index
    %swap3A_362 = vector.load %arg3[%swap3A_361] : memref<20480xf32, #tpu.memory_space<vmem>>, vector<512xf32>
    tpu.vector_store %arg3[%swap3A_361], %reshape3A_360 {strides = array<i32>} : memref<20480xf32, #tpu.memory_space<vmem>>, vector<512xf32>,
    %reshape3A_363 = vector.shape_cast %dot_general3A_359 : vector<1x512xf32> to vector<512xf32>
    %swap3A_364 = arith.constant 14336 : index
    %swap3A_365 = vector.load %arg3[%swap3A_364] : memref<20480xf32, #tpu.memory_space<vmem>>, vector<512xf32>
    tpu.vector_store %arg3[%swap3A_364], %reshape3A_363 {strides = array<i32>} : memref<20480xf32, #tpu.memory_space<vmem>>, vector<512xf32>,
    %dma_start3A_366 = arith.constant 0 : i32
    %dma_start3A_367 = arith.constant 0 : i32
    %dma_start3A_368 = tpu.memref_slice %arg5[%dma_start3A_367] : memref<4x!tpu.dma_semaphore, #tpu.memory_space<semaphore_mem>> -> memref<1x!tpu.dma_semaphore, #tpu.memory_space<semaphore_mem>>
    %dma_start3A_369 = tpu.memref_squeeze %dma_start3A_368 : memref<1x!tpu.dma_semaphore, #tpu.memory_space<semaphore_mem>> -> memref<!tpu.dma_semaphore, #tpu.memory_space<semaphore_mem>>
    %dma_start3A_370 = arith.constant 0 : i32
    %dma_start3A_371 = arith.constant 0 : i32
    %dma_start3A_372 = tpu.memref_slice %arg4[%dma_start3A_366, %dma_start3A_370, %dma_start3A_371] : memref<4x512x512xf32, #tpu.memory_space<vmem>> -> memref<1x512x512xf32, #tpu.memory_space<vmem>>
    %dma_start3A_373 = tpu.memref_squeeze %dma_start3A_372 : memref<1x512x512xf32, #tpu.memory_space<vmem>> -> memref<512x512xf32, #tpu.memory_space<vmem>>
    %dma_start3A_374 = arith.constant 6144 : i32
    %dma_start3A_375 = arith.constant 0 : i32
    %dma_start3A_376 = tpu.memref_slice %arg1[%dma_start3A_374, %dma_start3A_375] : memref<10000x512xf32, #tpu.memory_space<any>> -> memref<512x512xf32, #tpu.memory_space<any>>
    tpu.enqueue_dma source(%dma_start3A_376 : memref<512x512xf32, #tpu.memory_space<any>>) target(%dma_start3A_373 : memref<512x512xf32, #tpu.memory_space<vmem>>) target_semaphore(%dma_start3A_369 : memref<!tpu.dma_semaphore, #tpu.memory_space<semaphore_mem>>)
    %dma_wait3A_377 = arith.constant 1 : i32
    %dma_wait3A_378 = arith.constant 1 : i32
    %dma_wait3A_379 = tpu.memref_slice %arg5[%dma_wait3A_378] : memref<4x!tpu.dma_semaphore, #tpu.memory_space<semaphore_mem>> -> memref<1x!tpu.dma_semaphore, #tpu.memory_space<semaphore_mem>>
    %dma_wait3A_380 = tpu.memref_squeeze %dma_wait3A_379 : memref<1x!tpu.dma_semaphore, #tpu.memory_space<semaphore_mem>> -> memref<!tpu.dma_semaphore, #tpu.memory_space<semaphore_mem>>
    %dma_wait3A_381 = arith.constant 0 : i32
    %dma_wait3A_382 = arith.constant 0 : i32
    %dma_wait3A_383 = tpu.memref_slice %arg4[%dma_wait3A_377, %dma_wait3A_381, %dma_wait3A_382] : memref<4x512x512xf32, #tpu.memory_space<vmem>> -> memref<1x512x512xf32, #tpu.memory_space<vmem>>
    %dma_wait3A_384 = tpu.memref_squeeze %dma_wait3A_383 : memref<1x512x512xf32, #tpu.memory_space<vmem>> -> memref<512x512xf32, #tpu.memory_space<vmem>>
    %dma_wait3A_385 = arith.constant 4608 : i32
    %dma_wait3A_386 = arith.constant 0 : i32
    %dma_wait3A_387 = tpu.memref_slice %arg1[%dma_wait3A_385, %dma_wait3A_386] : memref<10000x512xf32, #tpu.memory_space<any>> -> memref<512x512xf32, #tpu.memory_space<any>>
    tpu.wait_dma2 semaphore(%dma_wait3A_380 : memref<!tpu.dma_semaphore, #tpu.memory_space<semaphore_mem>>) src(%dma_wait3A_387 : memref<512x512xf32, #tpu.memory_space<any>>) dst(%dma_wait3A_384 : memref<512x512xf32, #tpu.memory_space<vmem>>)
    %get3A_388 = arith.constant 1 : index
    %get3A_389 = arith.constant 0 : index
    %get3A_390 = arith.constant 0 : index
    %get3A_391 = vector.load %arg4[%get3A_388, %get3A_389, %get3A_390] : memref<4x512x512xf32, #tpu.memory_space<vmem>>, vector<1x512x512xf32>
    %get3A_392 = vector.shape_cast %get3A_391 : vector<1x512x512xf32> to vector<512x512xf32>
    %dot_general3A_393 = arith.constant dense<0.000000e+00> : vector<1x512xf32>
    %dot_general3A_394 = tpu.matmul %get3A_1, %get3A_392, %dot_general3A_393 {dimension_numbers = #tpu.dot_dimension_numbers<[1], [1], [0], [0], [0, 0, 1, 0], [], []>, transpose_lhs_hint = false} : vector<1x512xf32>, vector<512x512xf32>, vector<1x512xf32> -> vector<1x512xf32>
    %dot_general3A_395 = arith.constant dense<0.000000e+00> : vector<1x512xf32>
    %dot_general3A_396 = tpu.matmul %get3A_4, %get3A_392, %dot_general3A_395 {dimension_numbers = #tpu.dot_dimension_numbers<[1], [1], [0], [0], [0, 0, 1, 0], [], []>, transpose_lhs_hint = false} : vector<1x512xf32>, vector<512x512xf32>, vector<1x512xf32> -> vector<1x512xf32>
    %reshape3A_397 = vector.shape_cast %dot_general3A_394 : vector<1x512xf32> to vector<512xf32>
    %swap3A_398 = arith.constant 4608 : index
    %swap3A_399 = vector.load %arg3[%swap3A_398] : memref<20480xf32, #tpu.memory_space<vmem>>, vector<512xf32>
    tpu.vector_store %arg3[%swap3A_398], %reshape3A_397 {strides = array<i32>} : memref<20480xf32, #tpu.memory_space<vmem>>, vector<512xf32>,
    %reshape3A_400 = vector.shape_cast %dot_general3A_396 : vector<1x512xf32> to vector<512xf32>
    %swap3A_401 = arith.constant 14848 : index
    %swap3A_402 = vector.load %arg3[%swap3A_401] : memref<20480xf32, #tpu.memory_space<vmem>>, vector<512xf32>
    tpu.vector_store %arg3[%swap3A_401], %reshape3A_400 {strides = array<i32>} : memref<20480xf32, #tpu.memory_space<vmem>>, vector<512xf32>,
    %dma_start3A_403 = arith.constant 1 : i32
    %dma_start3A_404 = arith.constant 1 : i32
    %dma_start3A_405 = tpu.memref_slice %arg5[%dma_start3A_404] : memref<4x!tpu.dma_semaphore, #tpu.memory_space<semaphore_mem>> -> memref<1x!tpu.dma_semaphore, #tpu.memory_space<semaphore_mem>>
    %dma_start3A_406 = tpu.memref_squeeze %dma_start3A_405 : memref<1x!tpu.dma_semaphore, #tpu.memory_space<semaphore_mem>> -> memref<!tpu.dma_semaphore, #tpu.memory_space<semaphore_mem>>
    %dma_start3A_407 = arith.constant 0 : i32
    %dma_start3A_408 = arith.constant 0 : i32
    %dma_start3A_409 = tpu.memref_slice %arg4[%dma_start3A_403, %dma_start3A_407, %dma_start3A_408] : memref<4x512x512xf32, #tpu.memory_space<vmem>> -> memref<1x512x512xf32, #tpu.memory_space<vmem>>
    %dma_start3A_410 = tpu.memref_squeeze %dma_start3A_409 : memref<1x512x512xf32, #tpu.memory_space<vmem>> -> memref<512x512xf32, #tpu.memory_space<vmem>>
    %dma_start3A_411 = arith.constant 6656 : i32
    %dma_start3A_412 = arith.constant 0 : i32
    %dma_start3A_413 = tpu.memref_slice %arg1[%dma_start3A_411, %dma_start3A_412] : memref<10000x512xf32, #tpu.memory_space<any>> -> memref<512x512xf32, #tpu.memory_space<any>>
    tpu.enqueue_dma source(%dma_start3A_413 : memref<512x512xf32, #tpu.memory_space<any>>) target(%dma_start3A_410 : memref<512x512xf32, #tpu.memory_space<vmem>>) target_semaphore(%dma_start3A_406 : memref<!tpu.dma_semaphore, #tpu.memory_space<semaphore_mem>>)
    %dma_wait3A_414 = arith.constant 2 : i32
    %dma_wait3A_415 = arith.constant 2 : i32
    %dma_wait3A_416 = tpu.memref_slice %arg5[%dma_wait3A_415] : memref<4x!tpu.dma_semaphore, #tpu.memory_space<semaphore_mem>> -> memref<1x!tpu.dma_semaphore, #tpu.memory_space<semaphore_mem>>
    %dma_wait3A_417 = tpu.memref_squeeze %dma_wait3A_416 : memref<1x!tpu.dma_semaphore, #tpu.memory_space<semaphore_mem>> -> memref<!tpu.dma_semaphore, #tpu.memory_space<semaphore_mem>>
    %dma_wait3A_418 = arith.constant 0 : i32
    %dma_wait3A_419 = arith.constant 0 : i32
    %dma_wait3A_420 = tpu.memref_slice %arg4[%dma_wait3A_414, %dma_wait3A_418, %dma_wait3A_419] : memref<4x512x512xf32, #tpu.memory_space<vmem>> -> memref<1x512x512xf32, #tpu.memory_space<vmem>>
    %dma_wait3A_421 = tpu.memref_squeeze %dma_wait3A_420 : memref<1x512x512xf32, #tpu.memory_space<vmem>> -> memref<512x512xf32, #tpu.memory_space<vmem>>
    %dma_wait3A_422 = arith.constant 5120 : i32
    %dma_wait3A_423 = arith.constant 0 : i32
    %dma_wait3A_424 = tpu.memref_slice %arg1[%dma_wait3A_422, %dma_wait3A_423] : memref<10000x512xf32, #tpu.memory_space<any>> -> memref<512x512xf32, #tpu.memory_space<any>>
    tpu.wait_dma2 semaphore(%dma_wait3A_417 : memref<!tpu.dma_semaphore, #tpu.memory_space<semaphore_mem>>) src(%dma_wait3A_424 : memref<512x512xf32, #tpu.memory_space<any>>) dst(%dma_wait3A_421 : memref<512x512xf32, #tpu.memory_space<vmem>>)
    %get3A_425 = arith.constant 2 : index
    %get3A_426 = arith.constant 0 : index
    %get3A_427 = arith.constant 0 : index
    %get3A_428 = vector.load %arg4[%get3A_425, %get3A_426, %get3A_427] : memref<4x512x512xf32, #tpu.memory_space<vmem>>, vector<1x512x512xf32>
    %get3A_429 = vector.shape_cast %get3A_428 : vector<1x512x512xf32> to vector<512x512xf32>
    %dot_general3A_430 = arith.constant dense<0.000000e+00> : vector<1x512xf32>
    %dot_general3A_431 = tpu.matmul %get3A_1, %get3A_429, %dot_general3A_430 {dimension_numbers = #tpu.dot_dimension_numbers<[1], [1], [0], [0], [0, 0, 1, 0], [], []>, transpose_lhs_hint = false} : vector<1x512xf32>, vector<512x512xf32>, vector<1x512xf32> -> vector<1x512xf32>
    %dot_general3A_432 = arith.constant dense<0.000000e+00> : vector<1x512xf32>
    %dot_general3A_433 = tpu.matmul %get3A_4, %get3A_429, %dot_general3A_432 {dimension_numbers = #tpu.dot_dimension_numbers<[1], [1], [0], [0], [0, 0, 1, 0], [], []>, transpose_lhs_hint = false} : vector<1x512xf32>, vector<512x512xf32>, vector<1x512xf32> -> vector<1x512xf32>
    %reshape3A_434 = vector.shape_cast %dot_general3A_431 : vector<1x512xf32> to vector<512xf32>
    %swap3A_435 = arith.constant 5120 : index
    %swap3A_436 = vector.load %arg3[%swap3A_435] : memref<20480xf32, #tpu.memory_space<vmem>>, vector<512xf32>
    tpu.vector_store %arg3[%swap3A_435], %reshape3A_434 {strides = array<i32>} : memref<20480xf32, #tpu.memory_space<vmem>>, vector<512xf32>,
    %reshape3A_437 = vector.shape_cast %dot_general3A_433 : vector<1x512xf32> to vector<512xf32>
    %swap3A_438 = arith.constant 15360 : index
    %swap3A_439 = vector.load %arg3[%swap3A_438] : memref<20480xf32, #tpu.memory_space<vmem>>, vector<512xf32>
    tpu.vector_store %arg3[%swap3A_438], %reshape3A_437 {strides = array<i32>} : memref<20480xf32, #tpu.memory_space<vmem>>, vector<512xf32>,
    %dma_start3A_440 = arith.constant 2 : i32
    %dma_start3A_441 = arith.constant 2 : i32
    %dma_start3A_442 = tpu.memref_slice %arg5[%dma_start3A_441] : memref<4x!tpu.dma_semaphore, #tpu.memory_space<semaphore_mem>> -> memref<1x!tpu.dma_semaphore, #tpu.memory_space<semaphore_mem>>
    %dma_start3A_443 = tpu.memref_squeeze %dma_start3A_442 : memref<1x!tpu.dma_semaphore, #tpu.memory_space<semaphore_mem>> -> memref<!tpu.dma_semaphore, #tpu.memory_space<semaphore_mem>>
    %dma_start3A_444 = arith.constant 0 : i32
    %dma_start3A_445 = arith.constant 0 : i32
    %dma_start3A_446 = tpu.memref_slice %arg4[%dma_start3A_440, %dma_start3A_444, %dma_start3A_445] : memref<4x512x512xf32, #tpu.memory_space<vmem>> -> memref<1x512x512xf32, #tpu.memory_space<vmem>>
    %dma_start3A_447 = tpu.memref_squeeze %dma_start3A_446 : memref<1x512x512xf32, #tpu.memory_space<vmem>> -> memref<512x512xf32, #tpu.memory_space<vmem>>
    %dma_start3A_448 = arith.constant 7168 : i32
    %dma_start3A_449 = arith.constant 0 : i32
    %dma_start3A_450 = tpu.memref_slice %arg1[%dma_start3A_448, %dma_start3A_449] : memref<10000x512xf32, #tpu.memory_space<any>> -> memref<512x512xf32, #tpu.memory_space<any>>
    tpu.enqueue_dma source(%dma_start3A_450 : memref<512x512xf32, #tpu.memory_space<any>>) target(%dma_start3A_447 : memref<512x512xf32, #tpu.memory_space<vmem>>) target_semaphore(%dma_start3A_443 : memref<!tpu.dma_semaphore, #tpu.memory_space<semaphore_mem>>)
    %dma_wait3A_451 = arith.constant 3 : i32
    %dma_wait3A_452 = arith.constant 3 : i32
    %dma_wait3A_453 = tpu.memref_slice %arg5[%dma_wait3A_452] : memref<4x!tpu.dma_semaphore, #tpu.memory_space<semaphore_mem>> -> memref<1x!tpu.dma_semaphore, #tpu.memory_space<semaphore_mem>>
    %dma_wait3A_454 = tpu.memref_squeeze %dma_wait3A_453 : memref<1x!tpu.dma_semaphore, #tpu.memory_space<semaphore_mem>> -> memref<!tpu.dma_semaphore, #tpu.memory_space<semaphore_mem>>
    %dma_wait3A_455 = arith.constant 0 : i32
    %dma_wait3A_456 = arith.constant 0 : i32
    %dma_wait3A_457 = tpu.memref_slice %arg4[%dma_wait3A_451, %dma_wait3A_455, %dma_wait3A_456] : memref<4x512x512xf32, #tpu.memory_space<vmem>> -> memref<1x512x512xf32, #tpu.memory_space<vmem>>
    %dma_wait3A_458 = tpu.memref_squeeze %dma_wait3A_457 : memref<1x512x512xf32, #tpu.memory_space<vmem>> -> memref<512x512xf32, #tpu.memory_space<vmem>>
    %dma_wait3A_459 = arith.constant 5632 : i32
    %dma_wait3A_460 = arith.constant 0 : i32
    %dma_wait3A_461 = tpu.memref_slice %arg1[%dma_wait3A_459, %dma_wait3A_460] : memref<10000x512xf32, #tpu.memory_space<any>> -> memref<512x512xf32, #tpu.memory_space<any>>
    tpu.wait_dma2 semaphore(%dma_wait3A_454 : memref<!tpu.dma_semaphore, #tpu.memory_space<semaphore_mem>>) src(%dma_wait3A_461 : memref<512x512xf32, #tpu.memory_space<any>>) dst(%dma_wait3A_458 : memref<512x512xf32, #tpu.memory_space<vmem>>)
    %get3A_462 = arith.constant 3 : index
    %get3A_463 = arith.constant 0 : index
    %get3A_464 = arith.constant 0 : index
    %get3A_465 = vector.load %arg4[%get3A_462, %get3A_463, %get3A_464] : memref<4x512x512xf32, #tpu.memory_space<vmem>>, vector<1x512x512xf32>
    %get3A_466 = vector.shape_cast %get3A_465 : vector<1x512x512xf32> to vector<512x512xf32>
    %dot_general3A_467 = arith.constant dense<0.000000e+00> : vector<1x512xf32>
    %dot_general3A_468 = tpu.matmul %get3A_1, %get3A_466, %dot_general3A_467 {dimension_numbers = #tpu.dot_dimension_numbers<[1], [1], [0], [0], [0, 0, 1, 0], [], []>, transpose_lhs_hint = false} : vector<1x512xf32>, vector<512x512xf32>, vector<1x512xf32> -> vector<1x512xf32>
    %dot_general3A_469 = arith.constant dense<0.000000e+00> : vector<1x512xf32>
    %dot_general3A_470 = tpu.matmul %get3A_4, %get3A_466, %dot_general3A_469 {dimension_numbers = #tpu.dot_dimension_numbers<[1], [1], [0], [0], [0, 0, 1, 0], [], []>, transpose_lhs_hint = false} : vector<1x512xf32>, vector<512x512xf32>, vector<1x512xf32> -> vector<1x512xf32>
    %reshape3A_471 = vector.shape_cast %dot_general3A_468 : vector<1x512xf32> to vector<512xf32>
    %swap3A_472 = arith.constant 5632 : index
    %swap3A_473 = vector.load %arg3[%swap3A_472] : memref<20480xf32, #tpu.memory_space<vmem>>, vector<512xf32>
    tpu.vector_store %arg3[%swap3A_472], %reshape3A_471 {strides = array<i32>} : memref<20480xf32, #tpu.memory_space<vmem>>, vector<512xf32>,
    %reshape3A_474 = vector.shape_cast %dot_general3A_470 : vector<1x512xf32> to vector<512xf32>
    %swap3A_475 = arith.constant 15872 : index
    %swap3A_476 = vector.load %arg3[%swap3A_475] : memref<20480xf32, #tpu.memory_space<vmem>>, vector<512xf32>
    tpu.vector_store %arg3[%swap3A_475], %reshape3A_474 {strides = array<i32>} : memref<20480xf32, #tpu.memory_space<vmem>>, vector<512xf32>,
    %dma_start3A_477 = arith.constant 3 : i32
    %dma_start3A_478 = arith.constant 3 : i32
    %dma_start3A_479 = tpu.memref_slice %arg5[%dma_start3A_478] : memref<4x!tpu.dma_semaphore, #tpu.memory_space<semaphore_mem>> -> memref<1x!tpu.dma_semaphore, #tpu.memory_space<semaphore_mem>>
    %dma_start3A_480 = tpu.memref_squeeze %dma_start3A_479 : memref<1x!tpu.dma_semaphore, #tpu.memory_space<semaphore_mem>> -> memref<!tpu.dma_semaphore, #tpu.memory_space<semaphore_mem>>
    %dma_start3A_481 = arith.constant 0 : i32
    %dma_start3A_482 = arith.constant 0 : i32
    %dma_start3A_483 = tpu.memref_slice %arg4[%dma_start3A_477, %dma_start3A_481, %dma_start3A_482] : memref<4x512x512xf32, #tpu.memory_space<vmem>> -> memref<1x512x512xf32, #tpu.memory_space<vmem>>
    %dma_start3A_484 = tpu.memref_squeeze %dma_start3A_483 : memref<1x512x512xf32, #tpu.memory_space<vmem>> -> memref<512x512xf32, #tpu.memory_space<vmem>>
    %dma_start3A_485 = arith.constant 7680 : i32
    %dma_start3A_486 = arith.constant 0 : i32
    %dma_start3A_487 = tpu.memref_slice %arg1[%dma_start3A_485, %dma_start3A_486] : memref<10000x512xf32, #tpu.memory_space<any>> -> memref<512x512xf32, #tpu.memory_space<any>>
    tpu.enqueue_dma source(%dma_start3A_487 : memref<512x512xf32, #tpu.memory_space<any>>) target(%dma_start3A_484 : memref<512x512xf32, #tpu.memory_space<vmem>>) target_semaphore(%dma_start3A_480 : memref<!tpu.dma_semaphore, #tpu.memory_space<semaphore_mem>>)
    %dma_wait3A_488 = arith.constant 0 : i32
    %dma_wait3A_489 = arith.constant 0 : i32
    %dma_wait3A_490 = tpu.memref_slice %arg5[%dma_wait3A_489] : memref<4x!tpu.dma_semaphore, #tpu.memory_space<semaphore_mem>> -> memref<1x!tpu.dma_semaphore, #tpu.memory_space<semaphore_mem>>
    %dma_wait3A_491 = tpu.memref_squeeze %dma_wait3A_490 : memref<1x!tpu.dma_semaphore, #tpu.memory_space<semaphore_mem>> -> memref<!tpu.dma_semaphore, #tpu.memory_space<semaphore_mem>>
    %dma_wait3A_492 = arith.constant 0 : i32
    %dma_wait3A_493 = arith.constant 0 : i32
    %dma_wait3A_494 = tpu.memref_slice %arg4[%dma_wait3A_488, %dma_wait3A_492, %dma_wait3A_493] : memref<4x512x512xf32, #tpu.memory_space<vmem>> -> memref<1x512x512xf32, #tpu.memory_space<vmem>>
    %dma_wait3A_495 = tpu.memref_squeeze %dma_wait3A_494 : memref<1x512x512xf32, #tpu.memory_space<vmem>> -> memref<512x512xf32, #tpu.memory_space<vmem>>
    %dma_wait3A_496 = arith.constant 6144 : i32
    %dma_wait3A_497 = arith.constant 0 : i32
    %dma_wait3A_498 = tpu.memref_slice %arg1[%dma_wait3A_496, %dma_wait3A_497] : memref<10000x512xf32, #tpu.memory_space<any>> -> memref<512x512xf32, #tpu.memory_space<any>>
    tpu.wait_dma2 semaphore(%dma_wait3A_491 : memref<!tpu.dma_semaphore, #tpu.memory_space<semaphore_mem>>) src(%dma_wait3A_498 : memref<512x512xf32, #tpu.memory_space<any>>) dst(%dma_wait3A_495 : memref<512x512xf32, #tpu.memory_space<vmem>>)
    %get3A_499 = arith.constant 0 : index
    %get3A_500 = arith.constant 0 : index
    %get3A_501 = arith.constant 0 : index
    %get3A_502 = vector.load %arg4[%get3A_499, %get3A_500, %get3A_501] : memref<4x512x512xf32, #tpu.memory_space<vmem>>, vector<1x512x512xf32>
    %get3A_503 = vector.shape_cast %get3A_502 : vector<1x512x512xf32> to vector<512x512xf32>
    %dot_general3A_504 = arith.constant dense<0.000000e+00> : vector<1x512xf32>
    %dot_general3A_505 = tpu.matmul %get3A_1, %get3A_503, %dot_general3A_504 {dimension_numbers = #tpu.dot_dimension_numbers<[1], [1], [0], [0], [0, 0, 1, 0], [], []>, transpose_lhs_hint = false} : vector<1x512xf32>, vector<512x512xf32>, vector<1x512xf32> -> vector<1x512xf32>
    %dot_general3A_506 = arith.constant dense<0.000000e+00> : vector<1x512xf32>
    %dot_general3A_507 = tpu.matmul %get3A_4, %get3A_503, %dot_general3A_506 {dimension_numbers = #tpu.dot_dimension_numbers<[1], [1], [0], [0], [0, 0, 1, 0], [], []>, transpose_lhs_hint = false} : vector<1x512xf32>, vector<512x512xf32>, vector<1x512xf32> -> vector<1x512xf32>
    %reshape3A_508 = vector.shape_cast %dot_general3A_505 : vector<1x512xf32> to vector<512xf32>
    %swap3A_509 = arith.constant 6144 : index
    %swap3A_510 = vector.load %arg3[%swap3A_509] : memref<20480xf32, #tpu.memory_space<vmem>>, vector<512xf32>
    tpu.vector_store %arg3[%swap3A_509], %reshape3A_508 {strides = array<i32>} : memref<20480xf32, #tpu.memory_space<vmem>>, vector<512xf32>,
    %reshape3A_511 = vector.shape_cast %dot_general3A_507 : vector<1x512xf32> to vector<512xf32>
    %swap3A_512 = arith.constant 16384 : index
    %swap3A_513 = vector.load %arg3[%swap3A_512] : memref<20480xf32, #tpu.memory_space<vmem>>, vector<512xf32>
    tpu.vector_store %arg3[%swap3A_512], %reshape3A_511 {strides = array<i32>} : memref<20480xf32, #tpu.memory_space<vmem>>, vector<512xf32>,
    %dma_start3A_514 = arith.constant 0 : i32
    %dma_start3A_515 = arith.constant 0 : i32
    %dma_start3A_516 = tpu.memref_slice %arg5[%dma_start3A_515] : memref<4x!tpu.dma_semaphore, #tpu.memory_space<semaphore_mem>> -> memref<1x!tpu.dma_semaphore, #tpu.memory_space<semaphore_mem>>
    %dma_start3A_517 = tpu.memref_squeeze %dma_start3A_516 : memref<1x!tpu.dma_semaphore, #tpu.memory_space<semaphore_mem>> -> memref<!tpu.dma_semaphore, #tpu.memory_space<semaphore_mem>>
    %dma_start3A_518 = arith.constant 0 : i32
    %dma_start3A_519 = arith.constant 0 : i32
    %dma_start3A_520 = tpu.memref_slice %arg4[%dma_start3A_514, %dma_start3A_518, %dma_start3A_519] : memref<4x512x512xf32, #tpu.memory_space<vmem>> -> memref<1x512x512xf32, #tpu.memory_space<vmem>>
    %dma_start3A_521 = tpu.memref_squeeze %dma_start3A_520 : memref<1x512x512xf32, #tpu.memory_space<vmem>> -> memref<512x512xf32, #tpu.memory_space<vmem>>
    %dma_start3A_522 = arith.constant 8192 : i32
    %dma_start3A_523 = arith.constant 0 : i32
    %dma_start3A_524 = tpu.memref_slice %arg1[%dma_start3A_522, %dma_start3A_523] : memref<10000x512xf32, #tpu.memory_space<any>> -> memref<512x512xf32, #tpu.memory_space<any>>
    tpu.enqueue_dma source(%dma_start3A_524 : memref<512x512xf32, #tpu.memory_space<any>>) target(%dma_start3A_521 : memref<512x512xf32, #tpu.memory_space<vmem>>) target_semaphore(%dma_start3A_517 : memref<!tpu.dma_semaphore, #tpu.memory_space<semaphore_mem>>)
    %dma_wait3A_525 = arith.constant 1 : i32
    %dma_wait3A_526 = arith.constant 1 : i32
    %dma_wait3A_527 = tpu.memref_slice %arg5[%dma_wait3A_526] : memref<4x!tpu.dma_semaphore, #tpu.memory_space<semaphore_mem>> -> memref<1x!tpu.dma_semaphore, #tpu.memory_space<semaphore_mem>>
    %dma_wait3A_528 = tpu.memref_squeeze %dma_wait3A_527 : memref<1x!tpu.dma_semaphore, #tpu.memory_space<semaphore_mem>> -> memref<!tpu.dma_semaphore, #tpu.memory_space<semaphore_mem>>
    %dma_wait3A_529 = arith.constant 0 : i32
    %dma_wait3A_530 = arith.constant 0 : i32
    %dma_wait3A_531 = tpu.memref_slice %arg4[%dma_wait3A_525, %dma_wait3A_529, %dma_wait3A_530] : memref<4x512x512xf32, #tpu.memory_space<vmem>> -> memref<1x512x512xf32, #tpu.memory_space<vmem>>
    %dma_wait3A_532 = tpu.memref_squeeze %dma_wait3A_531 : memref<1x512x512xf32, #tpu.memory_space<vmem>> -> memref<512x512xf32, #tpu.memory_space<vmem>>
    %dma_wait3A_533 = arith.constant 6656 : i32
    %dma_wait3A_534 = arith.constant 0 : i32
    %dma_wait3A_535 = tpu.memref_slice %arg1[%dma_wait3A_533, %dma_wait3A_534] : memref<10000x512xf32, #tpu.memory_space<any>> -> memref<512x512xf32, #tpu.memory_space<any>>
    tpu.wait_dma2 semaphore(%dma_wait3A_528 : memref<!tpu.dma_semaphore, #tpu.memory_space<semaphore_mem>>) src(%dma_wait3A_535 : memref<512x512xf32, #tpu.memory_space<any>>) dst(%dma_wait3A_532 : memref<512x512xf32, #tpu.memory_space<vmem>>)
    %get3A_536 = arith.constant 1 : index
    %get3A_537 = arith.constant 0 : index
    %get3A_538 = arith.constant 0 : index
    %get3A_539 = vector.load %arg4[%get3A_536, %get3A_537, %get3A_538] : memref<4x512x512xf32, #tpu.memory_space<vmem>>, vector<1x512x512xf32>
    %get3A_540 = vector.shape_cast %get3A_539 : vector<1x512x512xf32> to vector<512x512xf32>
    %dot_general3A_541 = arith.constant dense<0.000000e+00> : vector<1x512xf32>
    %dot_general3A_542 = tpu.matmul %get3A_1, %get3A_540, %dot_general3A_541 {dimension_numbers = #tpu.dot_dimension_numbers<[1], [1], [0], [0], [0, 0, 1, 0], [], []>, transpose_lhs_hint = false} : vector<1x512xf32>, vector<512x512xf32>, vector<1x512xf32> -> vector<1x512xf32>
    %dot_general3A_543 = arith.constant dense<0.000000e+00> : vector<1x512xf32>
    %dot_general3A_544 = tpu.matmul %get3A_4, %get3A_540, %dot_general3A_543 {dimension_numbers = #tpu.dot_dimension_numbers<[1], [1], [0], [0], [0, 0, 1, 0], [], []>, transpose_lhs_hint = false} : vector<1x512xf32>, vector<512x512xf32>, vector<1x512xf32> -> vector<1x512xf32>
    %reshape3A_545 = vector.shape_cast %dot_general3A_542 : vector<1x512xf32> to vector<512xf32>
    %swap3A_546 = arith.constant 6656 : index
    %swap3A_547 = vector.load %arg3[%swap3A_546] : memref<20480xf32, #tpu.memory_space<vmem>>, vector<512xf32>
    tpu.vector_store %arg3[%swap3A_546], %reshape3A_545 {strides = array<i32>} : memref<20480xf32, #tpu.memory_space<vmem>>, vector<512xf32>,
    %reshape3A_548 = vector.shape_cast %dot_general3A_544 : vector<1x512xf32> to vector<512xf32>
    %swap3A_549 = arith.constant 16896 : index
    %swap3A_550 = vector.load %arg3[%swap3A_549] : memref<20480xf32, #tpu.memory_space<vmem>>, vector<512xf32>
    tpu.vector_store %arg3[%swap3A_549], %reshape3A_548 {strides = array<i32>} : memref<20480xf32, #tpu.memory_space<vmem>>, vector<512xf32>,
    %dma_start3A_551 = arith.constant 1 : i32
    %dma_start3A_552 = arith.constant 1 : i32
    %dma_start3A_553 = tpu.memref_slice %arg5[%dma_start3A_552] : memref<4x!tpu.dma_semaphore, #tpu.memory_space<semaphore_mem>> -> memref<1x!tpu.dma_semaphore, #tpu.memory_space<semaphore_mem>>
    %dma_start3A_554 = tpu.memref_squeeze %dma_start3A_553 : memref<1x!tpu.dma_semaphore, #tpu.memory_space<semaphore_mem>> -> memref<!tpu.dma_semaphore, #tpu.memory_space<semaphore_mem>>
    %dma_start3A_555 = arith.constant 0 : i32
    %dma_start3A_556 = arith.constant 0 : i32
    %dma_start3A_557 = tpu.memref_slice %arg4[%dma_start3A_551, %dma_start3A_555, %dma_start3A_556] : memref<4x512x512xf32, #tpu.memory_space<vmem>> -> memref<1x512x512xf32, #tpu.memory_space<vmem>>
    %dma_start3A_558 = tpu.memref_squeeze %dma_start3A_557 : memref<1x512x512xf32, #tpu.memory_space<vmem>> -> memref<512x512xf32, #tpu.memory_space<vmem>>
    %dma_start3A_559 = arith.constant 8704 : i32
    %dma_start3A_560 = arith.constant 0 : i32
    %dma_start3A_561 = tpu.memref_slice %arg1[%dma_start3A_559, %dma_start3A_560] : memref<10000x512xf32, #tpu.memory_space<any>> -> memref<512x512xf32, #tpu.memory_space<any>>
    tpu.enqueue_dma source(%dma_start3A_561 : memref<512x512xf32, #tpu.memory_space<any>>) target(%dma_start3A_558 : memref<512x512xf32, #tpu.memory_space<vmem>>) target_semaphore(%dma_start3A_554 : memref<!tpu.dma_semaphore, #tpu.memory_space<semaphore_mem>>)
    %dma_wait3A_562 = arith.constant 2 : i32
    %dma_wait3A_563 = arith.constant 2 : i32
    %dma_wait3A_564 = tpu.memref_slice %arg5[%dma_wait3A_563] : memref<4x!tpu.dma_semaphore, #tpu.memory_space<semaphore_mem>> -> memref<1x!tpu.dma_semaphore, #tpu.memory_space<semaphore_mem>>
    %dma_wait3A_565 = tpu.memref_squeeze %dma_wait3A_564 : memref<1x!tpu.dma_semaphore, #tpu.memory_space<semaphore_mem>> -> memref<!tpu.dma_semaphore, #tpu.memory_space<semaphore_mem>>
    %dma_wait3A_566 = arith.constant 0 : i32
    %dma_wait3A_567 = arith.constant 0 : i32
    %dma_wait3A_568 = tpu.memref_slice %arg4[%dma_wait3A_562, %dma_wait3A_566, %dma_wait3A_567] : memref<4x512x512xf32, #tpu.memory_space<vmem>> -> memref<1x512x512xf32, #tpu.memory_space<vmem>>
    %dma_wait3A_569 = tpu.memref_squeeze %dma_wait3A_568 : memref<1x512x512xf32, #tpu.memory_space<vmem>> -> memref<512x512xf32, #tpu.memory_space<vmem>>
    %dma_wait3A_570 = arith.constant 7168 : i32
    %dma_wait3A_571 = arith.constant 0 : i32
    %dma_wait3A_572 = tpu.memref_slice %arg1[%dma_wait3A_570, %dma_wait3A_571] : memref<10000x512xf32, #tpu.memory_space<any>> -> memref<512x512xf32, #tpu.memory_space<any>>
    tpu.wait_dma2 semaphore(%dma_wait3A_565 : memref<!tpu.dma_semaphore, #tpu.memory_space<semaphore_mem>>) src(%dma_wait3A_572 : memref<512x512xf32, #tpu.memory_space<any>>) dst(%dma_wait3A_569 : memref<512x512xf32, #tpu.memory_space<vmem>>)
    %get3A_573 = arith.constant 2 : index
    %get3A_574 = arith.constant 0 : index
    %get3A_575 = arith.constant 0 : index
    %get3A_576 = vector.load %arg4[%get3A_573, %get3A_574, %get3A_575] : memref<4x512x512xf32, #tpu.memory_space<vmem>>, vector<1x512x512xf32>
    %get3A_577 = vector.shape_cast %get3A_576 : vector<1x512x512xf32> to vector<512x512xf32>
    %dot_general3A_578 = arith.constant dense<0.000000e+00> : vector<1x512xf32>
    %dot_general3A_579 = tpu.matmul %get3A_1, %get3A_577, %dot_general3A_578 {dimension_numbers = #tpu.dot_dimension_numbers<[1], [1], [0], [0], [0, 0, 1, 0], [], []>, transpose_lhs_hint = false} : vector<1x512xf32>, vector<512x512xf32>, vector<1x512xf32> -> vector<1x512xf32>
    %dot_general3A_580 = arith.constant dense<0.000000e+00> : vector<1x512xf32>
    %dot_general3A_581 = tpu.matmul %get3A_4, %get3A_577, %dot_general3A_580 {dimension_numbers = #tpu.dot_dimension_numbers<[1], [1], [0], [0], [0, 0, 1, 0], [], []>, transpose_lhs_hint = false} : vector<1x512xf32>, vector<512x512xf32>, vector<1x512xf32> -> vector<1x512xf32>
    %reshape3A_582 = vector.shape_cast %dot_general3A_579 : vector<1x512xf32> to vector<512xf32>
    %swap3A_583 = arith.constant 7168 : index
    %swap3A_584 = vector.load %arg3[%swap3A_583] : memref<20480xf32, #tpu.memory_space<vmem>>, vector<512xf32>
    tpu.vector_store %arg3[%swap3A_583], %reshape3A_582 {strides = array<i32>} : memref<20480xf32, #tpu.memory_space<vmem>>, vector<512xf32>,
    %reshape3A_585 = vector.shape_cast %dot_general3A_581 : vector<1x512xf32> to vector<512xf32>
    %swap3A_586 = arith.constant 17408 : index
    %swap3A_587 = vector.load %arg3[%swap3A_586] : memref<20480xf32, #tpu.memory_space<vmem>>, vector<512xf32>
    tpu.vector_store %arg3[%swap3A_586], %reshape3A_585 {strides = array<i32>} : memref<20480xf32, #tpu.memory_space<vmem>>, vector<512xf32>,
    %dma_start3A_588 = arith.constant 2 : i32
    %dma_start3A_589 = arith.constant 2 : i32
    %dma_start3A_590 = tpu.memref_slice %arg5[%dma_start3A_589] : memref<4x!tpu.dma_semaphore, #tpu.memory_space<semaphore_mem>> -> memref<1x!tpu.dma_semaphore, #tpu.memory_space<semaphore_mem>>
    %dma_start3A_591 = tpu.memref_squeeze %dma_start3A_590 : memref<1x!tpu.dma_semaphore, #tpu.memory_space<semaphore_mem>> -> memref<!tpu.dma_semaphore, #tpu.memory_space<semaphore_mem>>
    %dma_start3A_592 = arith.constant 0 : i32
    %dma_start3A_593 = arith.constant 0 : i32
    %dma_start3A_594 = tpu.memref_slice %arg4[%dma_start3A_588, %dma_start3A_592, %dma_start3A_593] : memref<4x512x512xf32, #tpu.memory_space<vmem>> -> memref<1x512x512xf32, #tpu.memory_space<vmem>>
    %dma_start3A_595 = tpu.memref_squeeze %dma_start3A_594 : memref<1x512x512xf32, #tpu.memory_space<vmem>> -> memref<512x512xf32, #tpu.memory_space<vmem>>
    %dma_start3A_596 = arith.constant 9216 : i32
    %dma_start3A_597 = arith.constant 0 : i32
    %dma_start3A_598 = tpu.memref_slice %arg1[%dma_start3A_596, %dma_start3A_597] : memref<10000x512xf32, #tpu.memory_space<any>> -> memref<512x512xf32, #tpu.memory_space<any>>
    tpu.enqueue_dma source(%dma_start3A_598 : memref<512x512xf32, #tpu.memory_space<any>>) target(%dma_start3A_595 : memref<512x512xf32, #tpu.memory_space<vmem>>) target_semaphore(%dma_start3A_591 : memref<!tpu.dma_semaphore, #tpu.memory_space<semaphore_mem>>)
    %dma_wait3A_599 = arith.constant 3 : i32
    %dma_wait3A_600 = arith.constant 3 : i32
    %dma_wait3A_601 = tpu.memref_slice %arg5[%dma_wait3A_600] : memref<4x!tpu.dma_semaphore, #tpu.memory_space<semaphore_mem>> -> memref<1x!tpu.dma_semaphore, #tpu.memory_space<semaphore_mem>>
    %dma_wait3A_602 = tpu.memref_squeeze %dma_wait3A_601 : memref<1x!tpu.dma_semaphore, #tpu.memory_space<semaphore_mem>> -> memref<!tpu.dma_semaphore, #tpu.memory_space<semaphore_mem>>
    %dma_wait3A_603 = arith.constant 0 : i32
    %dma_wait3A_604 = arith.constant 0 : i32
    %dma_wait3A_605 = tpu.memref_slice %arg4[%dma_wait3A_599, %dma_wait3A_603, %dma_wait3A_604] : memref<4x512x512xf32, #tpu.memory_space<vmem>> -> memref<1x512x512xf32, #tpu.memory_space<vmem>>
    %dma_wait3A_606 = tpu.memref_squeeze %dma_wait3A_605 : memref<1x512x512xf32, #tpu.memory_space<vmem>> -> memref<512x512xf32, #tpu.memory_space<vmem>>
    %dma_wait3A_607 = arith.constant 7680 : i32
    %dma_wait3A_608 = arith.constant 0 : i32
    %dma_wait3A_609 = tpu.memref_slice %arg1[%dma_wait3A_607, %dma_wait3A_608] : memref<10000x512xf32, #tpu.memory_space<any>> -> memref<512x512xf32, #tpu.memory_space<any>>
    tpu.wait_dma2 semaphore(%dma_wait3A_602 : memref<!tpu.dma_semaphore, #tpu.memory_space<semaphore_mem>>) src(%dma_wait3A_609 : memref<512x512xf32, #tpu.memory_space<any>>) dst(%dma_wait3A_606 : memref<512x512xf32, #tpu.memory_space<vmem>>)
    %get3A_610 = arith.constant 3 : index
    %get3A_611 = arith.constant 0 : index
    %get3A_612 = arith.constant 0 : index
    %get3A_613 = vector.load %arg4[%get3A_610, %get3A_611, %get3A_612] : memref<4x512x512xf32, #tpu.memory_space<vmem>>, vector<1x512x512xf32>
    %get3A_614 = vector.shape_cast %get3A_613 : vector<1x512x512xf32> to vector<512x512xf32>
    %dot_general3A_615 = arith.constant dense<0.000000e+00> : vector<1x512xf32>
    %dot_general3A_616 = tpu.matmul %get3A_1, %get3A_614, %dot_general3A_615 {dimension_numbers = #tpu.dot_dimension_numbers<[1], [1], [0], [0], [0, 0, 1, 0], [], []>, transpose_lhs_hint = false} : vector<1x512xf32>, vector<512x512xf32>, vector<1x512xf32> -> vector<1x512xf32>
    %dot_general3A_617 = arith.constant dense<0.000000e+00> : vector<1x512xf32>
    %dot_general3A_618 = tpu.matmul %get3A_4, %get3A_614, %dot_general3A_617 {dimension_numbers = #tpu.dot_dimension_numbers<[1], [1], [0], [0], [0, 0, 1, 0], [], []>, transpose_lhs_hint = false} : vector<1x512xf32>, vector<512x512xf32>, vector<1x512xf32> -> vector<1x512xf32>
    %reshape3A_619 = vector.shape_cast %dot_general3A_616 : vector<1x512xf32> to vector<512xf32>
    %swap3A_620 = arith.constant 7680 : index
    %swap3A_621 = vector.load %arg3[%swap3A_620] : memref<20480xf32, #tpu.memory_space<vmem>>, vector<512xf32>
    tpu.vector_store %arg3[%swap3A_620], %reshape3A_619 {strides = array<i32>} : memref<20480xf32, #tpu.memory_space<vmem>>, vector<512xf32>,
    %reshape3A_622 = vector.shape_cast %dot_general3A_618 : vector<1x512xf32> to vector<512xf32>
    %swap3A_623 = arith.constant 17920 : index
    %swap3A_624 = vector.load %arg3[%swap3A_623] : memref<20480xf32, #tpu.memory_space<vmem>>, vector<512xf32>
    tpu.vector_store %arg3[%swap3A_623], %reshape3A_622 {strides = array<i32>} : memref<20480xf32, #tpu.memory_space<vmem>>, vector<512xf32>,
    %dma_start3A_625 = arith.constant 3 : i32
    %dma_start3A_626 = arith.constant 3 : i32
    %dma_start3A_627 = tpu.memref_slice %arg5[%dma_start3A_626] : memref<4x!tpu.dma_semaphore, #tpu.memory_space<semaphore_mem>> -> memref<1x!tpu.dma_semaphore, #tpu.memory_space<semaphore_mem>>
    %dma_start3A_628 = tpu.memref_squeeze %dma_start3A_627 : memref<1x!tpu.dma_semaphore, #tpu.memory_space<semaphore_mem>> -> memref<!tpu.dma_semaphore, #tpu.memory_space<semaphore_mem>>
    %dma_start3A_629 = arith.constant 0 : i32
    %dma_start3A_630 = arith.constant 0 : i32
    %dma_start3A_631 = tpu.memref_slice %arg4[%dma_start3A_625, %dma_start3A_629, %dma_start3A_630] : memref<4x512x512xf32, #tpu.memory_space<vmem>> -> memref<1x272x512xf32, #tpu.memory_space<vmem>>
    %dma_start3A_632 = tpu.memref_squeeze %dma_start3A_631 : memref<1x272x512xf32, #tpu.memory_space<vmem>> -> memref<272x512xf32, #tpu.memory_space<vmem>>
    %dma_start3A_633 = arith.constant 9728 : i32
    %dma_start3A_634 = arith.constant 0 : i32
    %dma_start3A_635 = tpu.memref_slice %arg1[%dma_start3A_633, %dma_start3A_634] : memref<10000x512xf32, #tpu.memory_space<any>> -> memref<272x512xf32, #tpu.memory_space<any>>
    tpu.enqueue_dma source(%dma_start3A_635 : memref<272x512xf32, #tpu.memory_space<any>>) target(%dma_start3A_632 : memref<272x512xf32, #tpu.memory_space<vmem>>) target_semaphore(%dma_start3A_628 : memref<!tpu.dma_semaphore, #tpu.memory_space<semaphore_mem>>)
    %dma_wait3A_636 = arith.constant 0 : i32
    %dma_wait3A_637 = arith.constant 0 : i32
    %dma_wait3A_638 = tpu.memref_slice %arg5[%dma_wait3A_637] : memref<4x!tpu.dma_semaphore, #tpu.memory_space<semaphore_mem>> -> memref<1x!tpu.dma_semaphore, #tpu.memory_space<semaphore_mem>>
    %dma_wait3A_639 = tpu.memref_squeeze %dma_wait3A_638 : memref<1x!tpu.dma_semaphore, #tpu.memory_space<semaphore_mem>> -> memref<!tpu.dma_semaphore, #tpu.memory_space<semaphore_mem>>
    %dma_wait3A_640 = arith.constant 0 : i32
    %dma_wait3A_641 = arith.constant 0 : i32
    %dma_wait3A_642 = tpu.memref_slice %arg4[%dma_wait3A_636, %dma_wait3A_640, %dma_wait3A_641] : memref<4x512x512xf32, #tpu.memory_space<vmem>> -> memref<1x512x512xf32, #tpu.memory_space<vmem>>
    %dma_wait3A_643 = tpu.memref_squeeze %dma_wait3A_642 : memref<1x512x512xf32, #tpu.memory_space<vmem>> -> memref<512x512xf32, #tpu.memory_space<vmem>>
    %dma_wait3A_644 = arith.constant 8192 : i32
    %dma_wait3A_645 = arith.constant 0 : i32
    %dma_wait3A_646 = tpu.memref_slice %arg1[%dma_wait3A_644, %dma_wait3A_645] : memref<10000x512xf32, #tpu.memory_space<any>> -> memref<512x512xf32, #tpu.memory_space<any>>
    tpu.wait_dma2 semaphore(%dma_wait3A_639 : memref<!tpu.dma_semaphore, #tpu.memory_space<semaphore_mem>>) src(%dma_wait3A_646 : memref<512x512xf32, #tpu.memory_space<any>>) dst(%dma_wait3A_643 : memref<512x512xf32, #tpu.memory_space<vmem>>)
    %get3A_647 = arith.constant 0 : index
    %get3A_648 = arith.constant 0 : index
    %get3A_649 = arith.constant 0 : index
    %get3A_650 = vector.load %arg4[%get3A_647, %get3A_648, %get3A_649] : memref<4x512x512xf32, #tpu.memory_space<vmem>>, vector<1x512x512xf32>
    %get3A_651 = vector.shape_cast %get3A_650 : vector<1x512x512xf32> to vector<512x512xf32>
    %dot_general3A_652 = arith.constant dense<0.000000e+00> : vector<1x512xf32>
    %dot_general3A_653 = tpu.matmul %get3A_1, %get3A_651, %dot_general3A_652 {dimension_numbers = #tpu.dot_dimension_numbers<[1], [1], [0], [0], [0, 0, 1, 0], [], []>, transpose_lhs_hint = false} : vector<1x512xf32>, vector<512x512xf32>, vector<1x512xf32> -> vector<1x512xf32>
    %dot_general3A_654 = arith.constant dense<0.000000e+00> : vector<1x512xf32>
    %dot_general3A_655 = tpu.matmul %get3A_4, %get3A_651, %dot_general3A_654 {dimension_numbers = #tpu.dot_dimension_numbers<[1], [1], [0], [0], [0, 0, 1, 0], [], []>, transpose_lhs_hint = false} : vector<1x512xf32>, vector<512x512xf32>, vector<1x512xf32> -> vector<1x512xf32>
    %reshape3A_656 = vector.shape_cast %dot_general3A_653 : vector<1x512xf32> to vector<512xf32>
    %swap3A_657 = arith.constant 8192 : index
    %swap3A_658 = vector.load %arg3[%swap3A_657] : memref<20480xf32, #tpu.memory_space<vmem>>, vector<512xf32>
    tpu.vector_store %arg3[%swap3A_657], %reshape3A_656 {strides = array<i32>} : memref<20480xf32, #tpu.memory_space<vmem>>, vector<512xf32>,
    %reshape3A_659 = vector.shape_cast %dot_general3A_655 : vector<1x512xf32> to vector<512xf32>
    %swap3A_660 = arith.constant 18432 : index
    %swap3A_661 = vector.load %arg3[%swap3A_660] : memref<20480xf32, #tpu.memory_space<vmem>>, vector<512xf32>
    tpu.vector_store %arg3[%swap3A_660], %reshape3A_659 {strides = array<i32>} : memref<20480xf32, #tpu.memory_space<vmem>>, vector<512xf32>,
    %dma_wait3A_662 = arith.constant 1 : i32
    %dma_wait3A_663 = arith.constant 1 : i32
    %dma_wait3A_664 = tpu.memref_slice %arg5[%dma_wait3A_663] : memref<4x!tpu.dma_semaphore, #tpu.memory_space<semaphore_mem>> -> memref<1x!tpu.dma_semaphore, #tpu.memory_space<semaphore_mem>>
    %dma_wait3A_665 = tpu.memref_squeeze %dma_wait3A_664 : memref<1x!tpu.dma_semaphore, #tpu.memory_space<semaphore_mem>> -> memref<!tpu.dma_semaphore, #tpu.memory_space<semaphore_mem>>
    %dma_wait3A_666 = arith.constant 0 : i32
    %dma_wait3A_667 = arith.constant 0 : i32
    %dma_wait3A_668 = tpu.memref_slice %arg4[%dma_wait3A_662, %dma_wait3A_666, %dma_wait3A_667] : memref<4x512x512xf32, #tpu.memory_space<vmem>> -> memref<1x512x512xf32, #tpu.memory_space<vmem>>
    %dma_wait3A_669 = tpu.memref_squeeze %dma_wait3A_668 : memref<1x512x512xf32, #tpu.memory_space<vmem>> -> memref<512x512xf32, #tpu.memory_space<vmem>>
    %dma_wait3A_670 = arith.constant 8704 : i32
    %dma_wait3A_671 = arith.constant 0 : i32
    %dma_wait3A_672 = tpu.memref_slice %arg1[%dma_wait3A_670, %dma_wait3A_671] : memref<10000x512xf32, #tpu.memory_space<any>> -> memref<512x512xf32, #tpu.memory_space<any>>
    tpu.wait_dma2 semaphore(%dma_wait3A_665 : memref<!tpu.dma_semaphore, #tpu.memory_space<semaphore_mem>>) src(%dma_wait3A_672 : memref<512x512xf32, #tpu.memory_space<any>>) dst(%dma_wait3A_669 : memref<512x512xf32, #tpu.memory_space<vmem>>)
    %get3A_673 = arith.constant 1 : index
    %get3A_674 = arith.constant 0 : index
    %get3A_675 = arith.constant 0 : index
    %get3A_676 = vector.load %arg4[%get3A_673, %get3A_674, %get3A_675] : memref<4x512x512xf32, #tpu.memory_space<vmem>>, vector<1x512x512xf32>
    %get3A_677 = vector.shape_cast %get3A_676 : vector<1x512x512xf32> to vector<512x512xf32>
    %dot_general3A_678 = arith.constant dense<0.000000e+00> : vector<1x512xf32>
    %dot_general3A_679 = tpu.matmul %get3A_1, %get3A_677, %dot_general3A_678 {dimension_numbers = #tpu.dot_dimension_numbers<[1], [1], [0], [0], [0, 0, 1, 0], [], []>, transpose_lhs_hint = false} : vector<1x512xf32>, vector<512x512xf32>, vector<1x512xf32> -> vector<1x512xf32>
    %dot_general3A_680 = arith.constant dense<0.000000e+00> : vector<1x512xf32>
    %dot_general3A_681 = tpu.matmul %get3A_4, %get3A_677, %dot_general3A_680 {dimension_numbers = #tpu.dot_dimension_numbers<[1], [1], [0], [0], [0, 0, 1, 0], [], []>, transpose_lhs_hint = false} : vector<1x512xf32>, vector<512x512xf32>, vector<1x512xf32> -> vector<1x512xf32>
    %reshape3A_682 = vector.shape_cast %dot_general3A_679 : vector<1x512xf32> to vector<512xf32>
    %swap3A_683 = arith.constant 8704 : index
    %swap3A_684 = vector.load %arg3[%swap3A_683] : memref<20480xf32, #tpu.memory_space<vmem>>, vector<512xf32>
    tpu.vector_store %arg3[%swap3A_683], %reshape3A_682 {strides = array<i32>} : memref<20480xf32, #tpu.memory_space<vmem>>, vector<512xf32>,
    %reshape3A_685 = vector.shape_cast %dot_general3A_681 : vector<1x512xf32> to vector<512xf32>
    %swap3A_686 = arith.constant 18944 : index
    %swap3A_687 = vector.load %arg3[%swap3A_686] : memref<20480xf32, #tpu.memory_space<vmem>>, vector<512xf32>
    tpu.vector_store %arg3[%swap3A_686], %reshape3A_685 {strides = array<i32>} : memref<20480xf32, #tpu.memory_space<vmem>>, vector<512xf32>,
    %dma_wait3A_688 = arith.constant 2 : i32
    %dma_wait3A_689 = arith.constant 2 : i32
    %dma_wait3A_690 = tpu.memref_slice %arg5[%dma_wait3A_689] : memref<4x!tpu.dma_semaphore, #tpu.memory_space<semaphore_mem>> -> memref<1x!tpu.dma_semaphore, #tpu.memory_space<semaphore_mem>>
    %dma_wait3A_691 = tpu.memref_squeeze %dma_wait3A_690 : memref<1x!tpu.dma_semaphore, #tpu.memory_space<semaphore_mem>> -> memref<!tpu.dma_semaphore, #tpu.memory_space<semaphore_mem>>
    %dma_wait3A_692 = arith.constant 0 : i32
    %dma_wait3A_693 = arith.constant 0 : i32
    %dma_wait3A_694 = tpu.memref_slice %arg4[%dma_wait3A_688, %dma_wait3A_692, %dma_wait3A_693] : memref<4x512x512xf32, #tpu.memory_space<vmem>> -> memref<1x512x512xf32, #tpu.memory_space<vmem>>
    %dma_wait3A_695 = tpu.memref_squeeze %dma_wait3A_694 : memref<1x512x512xf32, #tpu.memory_space<vmem>> -> memref<512x512xf32, #tpu.memory_space<vmem>>
    %dma_wait3A_696 = arith.constant 9216 : i32
    %dma_wait3A_697 = arith.constant 0 : i32
    %dma_wait3A_698 = tpu.memref_slice %arg1[%dma_wait3A_696, %dma_wait3A_697] : memref<10000x512xf32, #tpu.memory_space<any>> -> memref<512x512xf32, #tpu.memory_space<any>>
    tpu.wait_dma2 semaphore(%dma_wait3A_691 : memref<!tpu.dma_semaphore, #tpu.memory_space<semaphore_mem>>) src(%dma_wait3A_698 : memref<512x512xf32, #tpu.memory_space<any>>) dst(%dma_wait3A_695 : memref<512x512xf32, #tpu.memory_space<vmem>>)
    %get3A_699 = arith.constant 2 : index
    %get3A_700 = arith.constant 0 : index
    %get3A_701 = arith.constant 0 : index
    %get3A_702 = vector.load %arg4[%get3A_699, %get3A_700, %get3A_701] : memref<4x512x512xf32, #tpu.memory_space<vmem>>, vector<1x512x512xf32>
    %get3A_703 = vector.shape_cast %get3A_702 : vector<1x512x512xf32> to vector<512x512xf32>
    %dot_general3A_704 = arith.constant dense<0.000000e+00> : vector<1x512xf32>
    %dot_general3A_705 = tpu.matmul %get3A_1, %get3A_703, %dot_general3A_704 {dimension_numbers = #tpu.dot_dimension_numbers<[1], [1], [0], [0], [0, 0, 1, 0], [], []>, transpose_lhs_hint = false} : vector<1x512xf32>, vector<512x512xf32>, vector<1x512xf32> -> vector<1x512xf32>
    %dot_general3A_706 = arith.constant dense<0.000000e+00> : vector<1x512xf32>
    %dot_general3A_707 = tpu.matmul %get3A_4, %get3A_703, %dot_general3A_706 {dimension_numbers = #tpu.dot_dimension_numbers<[1], [1], [0], [0], [0, 0, 1, 0], [], []>, transpose_lhs_hint = false} : vector<1x512xf32>, vector<512x512xf32>, vector<1x512xf32> -> vector<1x512xf32>
    %reshape3A_708 = vector.shape_cast %dot_general3A_705 : vector<1x512xf32> to vector<512xf32>
    %swap3A_709 = arith.constant 9216 : index
    %swap3A_710 = vector.load %arg3[%swap3A_709] : memref<20480xf32, #tpu.memory_space<vmem>>, vector<512xf32>
    tpu.vector_store %arg3[%swap3A_709], %reshape3A_708 {strides = array<i32>} : memref<20480xf32, #tpu.memory_space<vmem>>, vector<512xf32>,
    %reshape3A_711 = vector.shape_cast %dot_general3A_707 : vector<1x512xf32> to vector<512xf32>
    %swap3A_712 = arith.constant 19456 : index
    %swap3A_713 = vector.load %arg3[%swap3A_712] : memref<20480xf32, #tpu.memory_space<vmem>>, vector<512xf32>
    tpu.vector_store %arg3[%swap3A_712], %reshape3A_711 {strides = array<i32>} : memref<20480xf32, #tpu.memory_space<vmem>>, vector<512xf32>,
    %dma_wait3A_714 = arith.constant 3 : i32
    %dma_wait3A_715 = arith.constant 3 : i32
    %dma_wait3A_716 = tpu.memref_slice %arg5[%dma_wait3A_715] : memref<4x!tpu.dma_semaphore, #tpu.memory_space<semaphore_mem>> -> memref<1x!tpu.dma_semaphore, #tpu.memory_space<semaphore_mem>>
    %dma_wait3A_717 = tpu.memref_squeeze %dma_wait3A_716 : memref<1x!tpu.dma_semaphore, #tpu.memory_space<semaphore_mem>> -> memref<!tpu.dma_semaphore, #tpu.memory_space<semaphore_mem>>
    %dma_wait3A_718 = arith.constant 0 : i32
    %dma_wait3A_719 = arith.constant 0 : i32
    %dma_wait3A_720 = tpu.memref_slice %arg4[%dma_wait3A_714, %dma_wait3A_718, %dma_wait3A_719] : memref<4x512x512xf32, #tpu.memory_space<vmem>> -> memref<1x272x512xf32, #tpu.memory_space<vmem>>
    %dma_wait3A_721 = tpu.memref_squeeze %dma_wait3A_720 : memref<1x272x512xf32, #tpu.memory_space<vmem>> -> memref<272x512xf32, #tpu.memory_space<vmem>>
    %dma_wait3A_722 = arith.constant 9728 : i32
    %dma_wait3A_723 = arith.constant 0 : i32
    %dma_wait3A_724 = tpu.memref_slice %arg1[%dma_wait3A_722, %dma_wait3A_723] : memref<10000x512xf32, #tpu.memory_space<any>> -> memref<272x512xf32, #tpu.memory_space<any>>
    tpu.wait_dma2 semaphore(%dma_wait3A_717 : memref<!tpu.dma_semaphore, #tpu.memory_space<semaphore_mem>>) src(%dma_wait3A_724 : memref<272x512xf32, #tpu.memory_space<any>>) dst(%dma_wait3A_721 : memref<272x512xf32, #tpu.memory_space<vmem>>)
    %get3A_725 = arith.constant 3 : index
    %get3A_726 = arith.constant 0 : index
    %get3A_727 = arith.constant 0 : index
    %get3A_728 = vector.load %arg4[%get3A_725, %get3A_726, %get3A_727] : memref<4x512x512xf32, #tpu.memory_space<vmem>>, vector<1x272x512xf32>
    %get3A_729 = vector.shape_cast %get3A_728 : vector<1x272x512xf32> to vector<272x512xf32>
    %dot_general3A_730 = arith.constant dense<0.000000e+00> : vector<1x272xf32>
    %dot_general3A_731 = tpu.matmul %get3A_1, %get3A_729, %dot_general3A_730 {dimension_numbers = #tpu.dot_dimension_numbers<[1], [1], [0], [0], [0, 0, 1, 0], [], []>, transpose_lhs_hint = false} : vector<1x512xf32>, vector<272x512xf32>, vector<1x272xf32> -> vector<1x272xf32>
    %dot_general3A_732 = arith.constant dense<0.000000e+00> : vector<1x272xf32>
    %dot_general3A_733 = tpu.matmul %get3A_4, %get3A_729, %dot_general3A_732 {dimension_numbers = #tpu.dot_dimension_numbers<[1], [1], [0], [0], [0, 0, 1, 0], [], []>, transpose_lhs_hint = false} : vector<1x512xf32>, vector<272x512xf32>, vector<1x272xf32> -> vector<1x272xf32>
    %reshape3A_734 = vector.shape_cast %dot_general3A_731 : vector<1x272xf32> to vector<272xf32>
    %swap3A_735 = arith.constant 9728 : index
    %swap3A_736 = vector.load %arg3[%swap3A_735] : memref<20480xf32, #tpu.memory_space<vmem>>, vector<272xf32>
    tpu.vector_store %arg3[%swap3A_735], %reshape3A_734 {strides = array<i32>} : memref<20480xf32, #tpu.memory_space<vmem>>, vector<272xf32>,
    %reshape3A_737 = vector.shape_cast %dot_general3A_733 : vector<1x272xf32> to vector<272xf32>
    %swap3A_738 = arith.constant 19968 : index
    %swap3A_739 = vector.load %arg3[%swap3A_738] : memref<20480xf32, #tpu.memory_space<vmem>>, vector<272xf32>
    tpu.vector_store %arg3[%swap3A_738], %reshape3A_737 {strides = array<i32>} : memref<20480xf32, #tpu.memory_space<vmem>>, vector<272xf32>,
    tpu.enqueue_dma source(%arg3 : memref<20480xf32, #tpu.memory_space<vmem>>) target(%arg2 : memref<20480xf32, #tpu.memory_space<any>>) target_semaphore(%arg6 : memref<!tpu.dma_semaphore, #tpu.memory_space<semaphore_mem>>)
    tpu.wait_dma2 semaphore(%arg6 : memref<!tpu.dma_semaphore, #tpu.memory_space<semaphore_mem>>) src(%arg3 : memref<20480xf32, #tpu.memory_space<vmem>>) dst(%arg2 : memref<20480xf32, #tpu.memory_space<any>>)
    return
  }
}

</mosaic_0001>

<sc_bundles>
// kernel: kernel.6.cloned.1.call-start
scs
__scs_entry_jumppad:
0x0: {  	(pc) =	sbr.rel $0x88, $3  }
0x1: {  	(tag) =	ssettag $0x0;
	lr =	simm.s32 $0x1  }
0x2: {  	[smem:$0x3F98] =	sst lr;
	_ =	strace $0xD0000000  }
0x3: {  	_ = 	snop  }
0x4: {  	_ = 	snop  }
0x5: {  	_ = 	snop  }
0x6: {  	_ = 	snop  }
0x7: {  	_ = 	snop  }
__scs_overlays_trampoline_lowered:
0x8: {  	[smem:$0x3FA7] =	sst s0  }
0x9: {  	[smem:$0x3FA8] =	sst s1  }
0xa: {  	[smem:$0x3FA9] =	sst s2  }
0xb: {  	[smem:$0x3FAA] =	sst s3  }
0xc: {  	[smem:$0x3FAB] =	sst s4  }
0xd: {  	[smem:$0x3FAC] =	sst s5  }
0xe: {  	[smem:$0x3FAD] =	sst s6  }
0xf: {  	[smem:$0x3FAE] =	sst s7  }
0x10: {  	[smem:$0x3FAF] =	sst s8  }
0x11: {  	[smem:$0x3FB0] =	sst s9;
	s0 =	simm.s32 @!p0 $0x0  }
0x12: {  	s1 =	sld [smem:$0x3F96];
	s0 =	simm.s32 @p0 $0x1  }
0x13: {  	[smem:$0x3FB1] =	sst s0;
	s0 =	simm.s32 @!p1 $0x0  }
0x14: {  	s2 =	sld [smem:$0x3F95];
	s0 =	simm.s32 @p1 $0x1  }
0x15: {  	[smem:$0x3FB2] =	sst s0;
	s0 =	simm.s32 @!p2 $0x0  }
0x16: {  	s3 =	sld [smem:$0x3FDB];
	s0 =	simm.s32 @p2 $0x1  }
0x17: {  	s4 =	simm.s32 $0x1BF5;
	[smem:$0x3FB4] =	sst s0  }
0x18: {  	s0 =	sld [smem:$0x3F97];
	_ =	swait.ge [sflag:s4], $0x0  }
0x19: {  	s7 =	sld [smem:$0x3F98]  }
0x1a: {  	s8 =	sadd.s32 $0xFFFFE003, lr  }
0x1b: {  	s9 =	sadd.s32 $0xFFFFFEF7, lr;
	s5 =	simm.s32 $0xFFFFFFFF;
	p2 =	slt.u32 s8, $0xFFFFF086  }
0x1c: {  	p1 =	slt.u32 s9, $0xF7A;
	s5 =	simm.s32 @!p2 $0x0  }
0x1d: {  	s5 =	simm.s32 @p1 $0x1;
	p0 =	seq.s32 s7, s2  }
0x1e: {  	s7 =	smul.u32 @!p0 $0xF7A, s2;
	p2 =	seq.s32 @!p0 s5, $0x0  }
0x1f: {  	s9 =	smul.u32 $0xF7A, s1;
	s8 =	simm.s32 @!p0 $0x1BF5;
	p2 =	por !p2, p0  }
0x20: {  	[sflag:s8] =	ssyncset.s32 @!p0 $0xFFFFF086;
	s6 =	sadd.s32 @!p0 s3, s7;
	s7 =	simm.s32 @!p0 $0x108  }
0x21: {  	s3 =	sadd.s32 s3, s9;
	s6 =	sadd.s32 @!p0 $0x88, s6;
	s7 =	simm.s32 @p2 $0x1082  }
0x22: {  	[simem:s7], [sflag:s8] =	dma.local @!p0 [hbm:s6], $0xF7A  }
0x23: {  	s9 =	sor.u32 $0xD0000000, s2;
	s6 =	simm.s32 $0x108;
	_ =	swait.ge @!p0 [sflag:s8], $0x0  }
0x24: {  	s3 =	sadd.s32 $0x88, s3;
	s6 =	simm.s32 @!p1 $0x1082;
	[sflag:s4] =	ssyncset.s32 $0xFFFFF086  }
0x25: {  	[simem:s6], [sflag:s4] =	dma.local [hbm:s3], $0xF7A  }
0x26: {  	[smem:$0x3F98] =	sst s1;
	(tag) =	ssettag s2;
	_ =	strace s9  }
0x27: {  	s1 =	sld [smem:$0x3FA8]  }
0x28: {  	s2 =	sld [smem:$0x3FA9]  }
0x29: {  	s4 =	sld [smem:$0x3FAB]  }
0x2a: {  	p0 =	seq.s32 s5, $0x0;
	s5 =	sld [smem:$0x3FAC]  }
0x2b: {  	s6 =	sld [smem:$0x3FAD]  }
0x2c: {  	s7 =	sld [smem:$0x3FAE]  }
0x2d: {  	s3 =	simm.s32 $0x108;
	s8 =	sld [smem:$0x3FAF]  }
0x2e: {  	s3 =	simm.s32 @!p0 $0x1082;
	s9 =	sld [smem:$0x3FB0]  }
0x2f: {  	lr =	sadd.s32 s0, s3;
	s0 =	sld [smem:$0x3FA7]  }
0x30: {  	s3 =	sld [smem:$0x3FAA]  }
0x31: {  	[smem:$0x3FB3] =	sst s10  }
0x32: {  	s10 =	sld [smem:$0x3FB1];
	_ =	sdelay $0x3  }
0x33: {  	p0 =	seq.s32 s10, $0x1;
	s10 =	sld [smem:$0x3FB3];
	_ =	sdelay $0x3  }
0x34: {  	[smem:$0x3FB3] =	sst s10  }
0x35: {  	s10 =	sld [smem:$0x3FB2];
	_ =	sdelay $0x3  }
0x36: {  	p1 =	seq.s32 s10, $0x1;
	s10 =	sld [smem:$0x3FB3];
	_ =	sdelay $0x3  }
0x37: {  	[smem:$0x3FB3] =	sst s10  }
0x38: {  	s10 =	sld [smem:$0x3FB4]  }
0x39: {  	_ = 	snop;
	(pc) =	sbr.ind lr, $3  }
0x3a: {  	_ = 	snop  }
0x3b: {  	_ = 	snop  }
0x3c: {  	p2 =	seq.s32 s10, $0x1;
	s10 =	sld [smem:$0x3FB3]  }
0x3d: {  	_ =	shalt  }
0x3e: {  	_ =	shalt  }
0x3f: {  	_ =	shalt  }
0x40: {  	_ =	shalt  }
0x41: {  	_ =	shalt  }
0x42: {  	_ =	shalt  }
0x43: {  	_ =	shalt  }
0x44: {  	_ =	shalt  }
0x45: {  	_ =	shalt  }
0x46: {  	_ =	shalt  }
0x47: {  	_ =	shalt  }
0x48: {  	_ =	shalt  }
0x49: {  	_ =	shalt  }
0x4a: {  	_ =	shalt  }
0x4b: {  	_ =	shalt  }
0x4c: {  	_ =	shalt  }
0x4d: {  	_ =	shalt  }
0x4e: {  	_ =	shalt  }
0x4f: {  	_ =	shalt  }
0x50: {  	_ =	shalt  }
0x51: {  	_ =	shalt  }
0x52: {  	_ =	shalt  }
0x53: {  	_ =	shalt  }
0x54: {  	_ =	shalt  }
0x55: {  	_ =	shalt  }
0x56: {  	_ =	shalt  }
0x57: {  	_ =	shalt  }
0x58: {  	_ =	shalt  }
0x59: {  	_ =	shalt  }
0x5a: {  	_ =	shalt  }
0x5b: {  	_ =	shalt  }
0x5c: {  	_ =	shalt  }
0x5d: {  	_ =	shalt  }
0x5e: {  	_ =	shalt  }
0x5f: {  	_ =	shalt  }
0x60: {  	_ =	shalt  }
0x61: {  	_ =	shalt  }
0x62: {  	_ =	shalt  }
0x63: {  	_ =	shalt  }
0x64: {  	_ =	shalt  }
0x65: {  	_ =	shalt  }
0x66: {  	_ =	shalt  }
0x67: {  	_ =	shalt  }
0x68: {  	_ =	shalt  }
0x69: {  	_ =	shalt  }
0x6a: {  	_ =	shalt  }
0x6b: {  	_ =	shalt  }
0x6c: {  	_ =	shalt  }
0x6d: {  	_ =	shalt  }
0x6e: {  	_ =	shalt  }
0x6f: {  	_ =	shalt  }
0x70: {  	_ =	shalt  }
0x71: {  	_ =	shalt  }
0x72: {  	_ =	shalt  }
0x73: {  	_ =	shalt  }
0x74: {  	_ =	shalt  }
0x75: {  	_ =	shalt  }
0x76: {  	_ =	shalt  }
0x77: {  	_ =	shalt  }
0x78: {  	_ =	shalt  }
0x79: {  	_ =	shalt  }
0x7a: {  	_ =	shalt  }
0x7b: {  	_ =	shalt  }
0x7c: {  	_ =	shalt  }
0x7d: {  	_ =	shalt  }
0x7e: {  	_ =	shalt  }
0x7f: {  	_ =	shalt  }
0x80: {  	_ =	shalt  }
0x81: {  	_ =	shalt  }
0x82: {  	_ =	shalt  }
0x83: {  	_ =	shalt  }
0x84: {  	_ =	shalt  }
0x85: {  	_ =	shalt  }
0x86: {  	_ =	shalt  }
0x87: {  	_ =	shalt  }
.Lfunc_end0:
.L_simem_size_0:
called_computation_lowered:
.L_overlay_start_0:
0x88: {  	s2 =	sld [smem:$0x3FD9]  }
0x89: {  	s3 =	sld [smem:$0x3FFE];
	_ =	sdelay $0x1  }
0x8a: {  	s1 =	srdreg.scid  }
0x8b: {  	s0 =	sand.u32 $0x1, s1  }
0x8c: {  	s17 =	sshll.u32 s0, $0xA;
	s2 =	sadd.s32 s3, s2  }
0x8d: {  	s2 =	sadd.s32 s2, s17  }
0x8e: {  	[smem:$0x3FBF] =	sst s2  }
0x8f: {  	_ = 	snop  }
0x90: {  	s2 =	sld [smem:$0x3FC8]  }
0x91: {  	s18 =	sld [smem:$0x3FC7]  }
0x92: {  	s4 =	sld [smem:$0x3FC6]  }
0x93: {  	s5 =	sld [smem:$0x3FC5]  }
0x94: {  	s6 =	sld [smem:$0x3FC4];
	(tm) =	ssettm $0x1  }
0x95: {  	s7 =	sld [smem:$0x3FFB];
	_ =	sdelay $0x3  }
0x96: {  	_ =	strace s7  }
0x97: {  	s7 =	sld [smem:$0x3FFC];
	_ =	sdelay $0x3  }
0x98: {  	_ =	strace s7  }
0x99: {  	s7 =	sld [smem:$0x3FFD];
	_ =	sdelay $0x3  }
0x9a: {  	_ =	strace s7  }
0x9b: {  	_ =	strace $0x8FFFFFFF  }
0x9c: {  	s19 =	sld [smem:$0x3FDB];
	_ =	sdelay $0x1  }
0x9d: {  	s8 =	simm.s32 $_scs_section_size  }
0x9e: {  	s9 =	simm.s32 $_size__tile_overlayer_lowered;
	s10 =	simm.s32 $_tile_overlayer_lowered  }
0x9f: {  	s22 =	simm.s32 $0x1BFF;
	s21 =	sshll.u32 s10, $0x1;
	s7 =	sadd.s32 s8, s19  }
0xa0: {  	s11 =	simm.s32 $0x0;
	s20 =	sshll.u32 s9, $0x1;
	s9 =	sadd.s32 s21, s7  }
0xa1: {  	[timem:s11], [sflag:s22] =	dma.local [hbm:s9], s20  }
0xa2: {  	_ =	swait.ge [sflag:s22], s20  }
0xa3: {  	s8 =	ssub.s32 $0x0, s20;
	[sflag:s22] =	ssyncset.done $0x0  }
0xa4: {  	[sflag:s22] =	ssyncadd.s32 s8;
	_ =	sdelay $0x1  }
0xa5: {  	s23 =	simm.s32 $0x1B8B  }
0xa6: {  	_ =	swait.ge [sflag:s23], $0x1  }
0xa7: {  	[sflag:s23] =	ssyncset.done $0x0  }
0xa8: {  	s25 =	simm.s32 $0x1B8E;
	s24 =	sld [smem:$0x3FFE];
	[sflag:s23] =	ssyncadd.s32 $0xFFFFFFFF  }
0xa9: {  	s26 =	simm.s32 $execute0_lowered;
	[smem:$0x3FD2] =	sst s25  }
0xaa: {  	s9 =	sshll.u32 s26, $0x1;
	_ =	strace $0x80000046;
	[dreg:$0x1] =	wrdreg $0xFFFFFFFF  }
0xab: {  	s28 =	simm.s32 $_size_execute0_lowered;
	s7 =	sadd.s32 s7, s9;
	[dreg:$0x0] =	wrdreg $0x0  }
0xac: {  	s9 =	sshll.u32 s28, $0x1;
	[dreg:$0x2] =	wrdreg s7  }
0xad: {  	[dreg:$0x3] =	wrdreg s9  }
0xae: {  	[dreg:$0x4] =	wrdreg $0xC0  }
0xaf: {  	_ =	task [dreg:s11], $0x5FFFF  }
0xb0: {  	[dreg:$0x1] =	wrdreg $0xFFFFFFFF  }
0xb1: {  	[dreg:$0x0] =	wrdreg $0x60  }
0xb2: {  	[dreg:$0x2] =	wrdreg s2  }
0xb3: {  	[dreg:$0x3] =	wrdreg s18  }
0xb4: {  	[dreg:$0x4] =	wrdreg s4  }
0xb5: {  	[dreg:$0x5] =	wrdreg s5  }
0xb6: {  	[dreg:$0x6] =	wrdreg s6  }
0xb7: {  	[dreg:$0x7] =	wrdreg s24  }
0xb8: {  	[dreg:$0x8] =	wrdreg $0x9  }
0xb9: {  	_ =	task.clear_ibuf [dreg:s11], $0x9FFFF;
	_ =	strace $0x90000046  }
0xba: {  	s29 =	simm.s32 $0x9;
	_ =	strace $0x80000048  }
0xbb: {  	_ =	swait.ge [sflag:s29], $0x1  }
0xbc: {  	[sflag:s29] =	ssyncadd.s32 $0xFFFFFFFF  }
0xbd: {  	_ =	strace $0x90000048  }
0xbe: {  	_ =	sfence  }
0xbf: {  	s30 =	sld [smem:$0x0];
	_ =	sdelay $0x2  }
0xc0: {  	s31 =	sshll.u32 s1, $0xD;
	s1 =	sshrl.u32 s1, $0x2  }
0xc1: {  	s3 =	sand.u32 $0x4000, s31;
	s1 =	sadd.s32 s1, s30  }
0xc2: {  	s0 =	sor.u32 s3, s0;
	s1 =	sshll.u32 s1, $0x11  }
0xc3: {  	s0 =	sor.u32 s1, s0  }
0xc4: {  	s0 =	sadd.s32 $0x8F2B, s0  }
0xc5: {  	[sflag:s0] =	ssyncadd.remote.s32 $0x1  }
0xc6: {  	_ =	sfence.sel $0xFFFF  }
0xc7: {  	[dreg:$0x0] =	wrdreg $0xFFFFFFFF;
	(pc) =	sbr.abs _section_cstart, $3  }
0xc8: {  	[dreg:$0x1] =	wrdreg $0xFFFFFFFF  }
0xc9: {  	_ =	task.clear_ibuf [dreg:s11], $0x2FFFF;
	_ =	strace $0x9FFFFFFF  }
0xca: {  	(tm) =	ssettm $0x7FFFFFFF  }
0xcb: {  	_ =	shalt  }
tec
execute0_lowered:
.L_overlay_start_1:
0x0: {  	(tag) =	ssettag $0x1  }
0x1: {  	s1 =	rddreg [dreg:$0x0]  }
0x2: {  	s4 =	rddreg [dreg:$0x1]  }
0x3: {  	s5 =	rddreg [dreg:$0x2]  }
0x4: {  	s6 =	rddreg [dreg:$0x3]  }
0x5: {  	s7 =	rddreg [dreg:$0x4]  }
0x6: {  	s8 =	rddreg [dreg:$0x5]  }
0x7: {  	s0 =	rddreg [dreg:$0x6]  }
0x8: {  	s9 =	srdreg.scid;
	s2 =	stileid.u32;
	s3 =	simm.s32 $0x0  }
0x9: {  	s15 =	simm.s32 $0x1;
	s16 =	simm.s32 $0x3D80;
	s17 =	simm.s32 $0x3F80  }
0xa: {  	s18 =	simm.s32 $0x2;
	s9 =	sand.u32 $0x1, s9;
	s10 =	sshll.u32 s2, $0x1  }
0xb: {  	s19 =	simm.s32 $0x0;
	[smem:$0x7FF] =	sst s3;
	s10 =	sor.u32 s9, s10  }
0xc: {  	_ =	strace $0x80000047;
	s9 =	ssub.s32 $0x2, s9;
	s11 =	sshll.u32 s10, $0x6  }
0xd: {  	s12 =	smul.u32 $0x280, s10;
	s13 =	sshrl.u32 s9, $0x1;
	s14 =	sshll.u32 s10, $0x5  }
0xe: {  	s10 =	smul.u32 $0x140, s10;
	s11 =	sadd.s32 s11, s8;
	s13 =	ssub.s32 s9, s13  }
0xf: {  	s4 =	sadd.s32 s4, s14;
	s5 =	sadd.s32 s5, s14;
	s14 =	simm.s32 $0x3380  }
0x10: {  	s12 =	sadd.s32 s12, s8;
	s6 =	sadd.s32 s6, s10;
	s7 =	sadd.s32 s7, s10  }
0x11: {  	s8 =	sadd.s32 $0x1E00, s11;
	s10 =	smax.u32 s13, $0x1;
	s11 =	simm.s32 $0x2780  }
0x12: {  	s13 =	simm.s32 $0x2980;
	s9 =	sadd.s32 $0x2600, s12;
	s12 =	simm.s32 $0x2880  }
.LBB2_1:
0x13: {  	[tilespmem:s11], [sflag:$0x1] =	stream.linear.gather [hbm4b:s4+s3], $0x100, $0x38;
	[tilespmem:$0x5380] =	vst v63  }
0x14: {  	_ = 	snop  }
0x15: {  	[tilespmem:s12], [sflag:$0x1] =	stream.linear.gather [hbm4b:s5+s3], $0x100, $0x38;
	[tilespmem:$0x5380] =	vst v63  }
0x16: {  	_ = 	snop  }
0x17: {  	[tilespmem:s13], [sflag:$0x1] =	stream.linear.gather [hbm4b:s6+s3], $0xA00, $0x38;
	[tilespmem:$0x5380] =	vst v63  }
0x18: {  	_ = 	snop  }
0x19: {  	[tilespmem:s14], [sflag:$0x1] =	stream.linear.gather [hbm4b:s7+s3], $0xA00, $0x38;
	[tilespmem:$0x5380] =	vst v63  }
0x1a: {  	_ = 	snop  }
0x1b: {  	[tilespmem:s3], [sflag:$0x1] =	stream.linear.gather [hbm4b:s1+s3], $0x2780, $0x38;
	[tilespmem:$0x5380] =	vst v63  }
0x1c: {  	_ =	swait.ge [sflag:s15], $0x100  }
0x1d: {  	[sflag:s15] =	ssyncset.done $0x0  }
0x1e: {  	[sflag:s15] =	ssyncadd.s32 $0xFFFFFF00  }
0x1f: {  	_ =	swait.ge [sflag:s15], $0x100  }
0x20: {  	[sflag:s15] =	ssyncset.done $0x0  }
0x21: {  	[sflag:s15] =	ssyncadd.s32 $0xFFFFFF00  }
0x22: {  	_ =	swait.ge [sflag:s15], $0xA00  }
0x23: {  	[sflag:s15] =	ssyncset.done $0x0  }
0x24: {  	[sflag:s15] =	ssyncadd.s32 $0xFFFFF600  }
0x25: {  	_ =	swait.ge [sflag:s15], $0xA00  }
0x26: {  	[sflag:s15] =	ssyncset.done $0x0  }
0x27: {  	[sflag:s15] =	ssyncadd.s32 $0xFFFFF600  }
0x28: {  	_ =	swait.ge [sflag:s15], $0x2780  }
0x29: {  	[sflag:s15] =	ssyncset.done $0x0  }
0x2a: {  	[sflag:s15] =	ssyncadd.s32 $0xFFFFD880  }
0x2b: {  	v0 =	vld [tilespmem:$0x2780];
	_ =	sdelay $0x5  }
0x2c: {  	v1 =	vld [tilespmem:$0x2880];
	_ =	sdelay $0x1  }
0x2d: {  	v0 =	vld.idx.msk [tilespmem:v0+s3+$0x0], $0xffff;
	_ =	sdelay $0x4  }
0x2e: {  	v35 =	vld [tilespmem:$0x2790];
	[tilespmem:$0x3D80] =	vst v0  }
0x2f: {  	v1 =	vld.idx.msk [tilespmem:v1+s3+$0x0], $0xffff;
	_ =	sdelay $0x4  }
0x30: {  	v2 =	vld [tilespmem:$0x2890];
	v1 =	vadd.s32 $0x2800, v1  }
0x31: {  	[tilespmem:$0x3E80] =	vst v1  }
0x32: {  	v0 =	vld.idx.msk [tilespmem:v35+s3+$0x0], $0xffff;
	_ =	sdelay $0x4  }
0x33: {  	v36 =	vld [tilespmem:$0x27A0];
	[tilespmem:$0x3D90] =	vst v0  }
0x34: {  	v1 =	vld.idx.msk [tilespmem:v2+s3+$0x0], $0xffff;
	_ =	sdelay $0x4  }
0x35: {  	v37 =	vld [tilespmem:$0x28A0];
	v1 =	vadd.s32 $0x2800, v1  }
0x36: {  	[tilespmem:$0x3E90] =	vst v1  }
0x37: {  	v0 =	vld.idx.msk [tilespmem:v36+s3+$0x0], $0xffff;
	_ =	sdelay $0x4  }
0x38: {  	v38 =	vld [tilespmem:$0x27B0];
	[tilespmem:$0x3DA0] =	vst v0  }
0x39: {  	v1 =	vld.idx.msk [tilespmem:v37+s3+$0x0], $0xffff;
	_ =	sdelay $0x4  }
0x3a: {  	v39 =	vld [tilespmem:$0x28B0];
	v1 =	vadd.s32 $0x2800, v1  }
0x3b: {  	[tilespmem:$0x3EA0] =	vst v1  }
0x3c: {  	v0 =	vld.idx.msk [tilespmem:v38+s3+$0x0], $0xffff;
	_ =	sdelay $0x4  }
0x3d: {  	v40 =	vld [tilespmem:$0x27C0];
	[tilespmem:$0x3DB0] =	vst v0  }
0x3e: {  	v1 =	vld.idx.msk [tilespmem:v39+s3+$0x0], $0xffff;
	_ =	sdelay $0x4  }
0x3f: {  	v41 =	vld [tilespmem:$0x28C0];
	v1 =	vadd.s32 $0x2800, v1  }
0x40: {  	[tilespmem:$0x3EB0] =	vst v1  }
0x41: {  	v0 =	vld.idx.msk [tilespmem:v40+s3+$0x0], $0xffff;
	_ =	sdelay $0x4  }
0x42: {  	v42 =	vld [tilespmem:$0x27D0];
	[tilespmem:$0x3DC0] =	vst v0  }
0x43: {  	v1 =	vld.idx.msk [tilespmem:v41+s3+$0x0], $0xffff;
	_ =	sdelay $0x4  }
0x44: {  	v43 =	vld [tilespmem:$0x28D0];
	v1 =	vadd.s32 $0x2800, v1  }
0x45: {  	[tilespmem:$0x3EC0] =	vst v1  }
0x46: {  	v0 =	vld.idx.msk [tilespmem:v42+s3+$0x0], $0xffff;
	_ =	sdelay $0x4  }
0x47: {  	v44 =	vld [tilespmem:$0x27E0];
	[tilespmem:$0x3DD0] =	vst v0  }
0x48: {  	v1 =	vld.idx.msk [tilespmem:v43+s3+$0x0], $0xffff;
	_ =	sdelay $0x4  }
0x49: {  	v45 =	vld [tilespmem:$0x28E0];
	v1 =	vadd.s32 $0x2800, v1  }
0x4a: {  	[tilespmem:$0x3ED0] =	vst v1  }
0x4b: {  	v0 =	vld.idx.msk [tilespmem:v44+s3+$0x0], $0xffff;
	_ =	sdelay $0x4  }
0x4c: {  	v46 =	vld [tilespmem:$0x27F0];
	[tilespmem:$0x3DE0] =	vst v0  }
0x4d: {  	v1 =	vld.idx.msk [tilespmem:v45+s3+$0x0], $0xffff;
	_ =	sdelay $0x4  }
0x4e: {  	v47 =	vld [tilespmem:$0x28F0];
	v1 =	vadd.s32 $0x2800, v1  }
0x4f: {  	[tilespmem:$0x3EE0] =	vst v1  }
0x50: {  	v0 =	vld.idx.msk [tilespmem:v46+s3+$0x0], $0xffff;
	_ =	sdelay $0x4  }
0x51: {  	v48 =	vld [tilespmem:$0x2800];
	[tilespmem:$0x3DF0] =	vst v0  }
0x52: {  	v1 =	vld.idx.msk [tilespmem:v47+s3+$0x0], $0xffff;
	_ =	sdelay $0x4  }
0x53: {  	v49 =	vld [tilespmem:$0x2900];
	v1 =	vadd.s32 $0x2800, v1  }
0x54: {  	[tilespmem:$0x3EF0] =	vst v1  }
0x55: {  	v0 =	vld.idx.msk [tilespmem:v48+s3+$0x0], $0xffff;
	_ =	sdelay $0x4  }
0x56: {  	v50 =	vld [tilespmem:$0x2810];
	[tilespmem:$0x3E00] =	vst v0  }
0x57: {  	v1 =	vld.idx.msk [tilespmem:v49+s3+$0x0], $0xffff;
	_ =	sdelay $0x4  }
0x58: {  	v51 =	vld [tilespmem:$0x2910];
	v1 =	vadd.s32 $0x2800, v1  }
0x59: {  	[tilespmem:$0x3F00] =	vst v1  }
0x5a: {  	v0 =	vld.idx.msk [tilespmem:v50+s3+$0x0], $0xffff;
	_ =	sdelay $0x4  }
0x5b: {  	v52 =	vld [tilespmem:$0x2820];
	[tilespmem:$0x3E10] =	vst v0  }
0x5c: {  	v1 =	vld.idx.msk [tilespmem:v51+s3+$0x0], $0xffff;
	_ =	sdelay $0x4  }
0x5d: {  	v53 =	vld [tilespmem:$0x2920];
	v1 =	vadd.s32 $0x2800, v1  }
0x5e: {  	[tilespmem:$0x3F10] =	vst v1  }
0x5f: {  	v0 =	vld.idx.msk [tilespmem:v52+s3+$0x0], $0xffff;
	_ =	sdelay $0x4  }
0x60: {  	v54 =	vld [tilespmem:$0x2830];
	[tilespmem:$0x3E20] =	vst v0  }
0x61: {  	v1 =	vld.idx.msk [tilespmem:v53+s3+$0x0], $0xffff;
	_ =	sdelay $0x4  }
0x62: {  	v55 =	vld [tilespmem:$0x2930];
	v1 =	vadd.s32 $0x2800, v1  }
0x63: {  	[tilespmem:$0x3F20] =	vst v1  }
0x64: {  	v0 =	vld.idx.msk [tilespmem:v54+s3+$0x0], $0xffff;
	_ =	sdelay $0x4  }
0x65: {  	v56 =	vld [tilespmem:$0x2840];
	[tilespmem:$0x3E30] =	vst v0  }
0x66: {  	v1 =	vld.idx.msk [tilespmem:v55+s3+$0x0], $0xffff;
	_ =	sdelay $0x4  }
0x67: {  	v57 =	vld [tilespmem:$0x2940];
	v1 =	vadd.s32 $0x2800, v1  }
0x68: {  	[tilespmem:$0x3F30] =	vst v1  }
0x69: {  	v0 =	vld.idx.msk [tilespmem:v56+s3+$0x0], $0xffff;
	_ =	sdelay $0x4  }
0x6a: {  	v58 =	vld [tilespmem:$0x2850];
	[tilespmem:$0x3E40] =	vst v0  }
0x6b: {  	v1 =	vld.idx.msk [tilespmem:v57+s3+$0x0], $0xffff;
	_ =	sdelay $0x4  }
0x6c: {  	v59 =	vld [tilespmem:$0x2950];
	v1 =	vadd.s32 $0x2800, v1  }
0x6d: {  	[tilespmem:$0x3F40] =	vst v1  }
0x6e: {  	v0 =	vld.idx.msk [tilespmem:v58+s3+$0x0], $0xffff;
	_ =	sdelay $0x4  }
0x6f: {  	v60 =	vld [tilespmem:$0x2860];
	[tilespmem:$0x3E50] =	vst v0  }
0x70: {  	v1 =	vld.idx.msk [tilespmem:v59+s3+$0x0], $0xffff;
	_ =	sdelay $0x4  }
0x71: {  	v61 =	vld [tilespmem:$0x2960];
	v1 =	vadd.s32 $0x2800, v1  }
0x72: {  	[tilespmem:$0x3F50] =	vst v1  }
0x73: {  	v0 =	vld.idx.msk [tilespmem:v60+s3+$0x0], $0xffff;
	_ =	sdelay $0x4  }
0x74: {  	v62 =	vld [tilespmem:$0x2870];
	[tilespmem:$0x3E60] =	vst v0  }
0x75: {  	v1 =	vld.idx.msk [tilespmem:v61+s3+$0x0], $0xffff;
	_ =	sdelay $0x4  }
0x76: {  	v63 =	vld [tilespmem:$0x2970];
	v1 =	vadd.s32 $0x2800, v1  }
0x77: {  	[tilespmem:$0x3F60] =	vst v1  }
0x78: {  	v0 =	vld.idx.msk [tilespmem:v62+s3+$0x0], $0xffff;
	_ =	sdelay $0x4  }
0x79: {  	[tilespmem:$0x3E70] =	vst v0  }
0x7a: {  	v0 =	vld.idx.msk [tilespmem:v63+s3+$0x0], $0xffff;
	_ =	sdelay $0x4  }
0x7b: {  	s20 =	simm.s32 $0x29A0;
	v0 =	vadd.s32 $0x2800, v0  }
0x7c: {  	s21 =	simm.s32 $0x33A0;
	s22 =	simm.s32 $0x3F80;
	s23 =	simm.s32 $0x0;
	[tilespmem:$0x3F70] =	vst v0  }
0x7d: {  	[hbm4b:s8+s3] =	stream.linear.scatter [tilespmem:s16], [sflag:$0x2], $0x200, $0x38;
	[tilespmem:$0x5380] =	vst v63  }
.LBB2_2:
0x7e: {  	v0 =	vld [tilespmem:s20+$0xFFFFFFE0];
	_ =	sdelay $0x7  }
0x7f: {  	v0 =	vld.idx.msk [tilespmem:v0+s3+$0x0], $0xffff;
	_ =	sdelay $0x4  }
0x80: {  	v0 =	vadd.s32 $0x2800, v0  }
0x81: {  	[tilespmem:s22+$0x0] =	vst v0  }
0x82: {  	v0 =	vld [tilespmem:s21+$0xFFFFFFE0];
	_ =	sdelay $0x7  }
0x83: {  	v0 =	vld.idx.msk [tilespmem:v0+s3+$0x0], $0xffff;
	_ =	sdelay $0x3  }
0x84: {  	s24 =	sand.u32 $0xFC0, s23  }
0x85: {  	[tilespmem:s24+$0x4980] =	vst v0  }
0x86: {  	v0 =	vld [tilespmem:s20+$0xFFFFFFF0];
	_ =	sdelay $0x7  }
0x87: {  	v0 =	vld.idx.msk [tilespmem:v0+s3+$0x0], $0xffff;
	_ =	sdelay $0x4  }
0x88: {  	v0 =	vadd.s32 $0x2800, v0  }
0x89: {  	[tilespmem:s22+$0x10] =	vst v0  }
0x8a: {  	v0 =	vld [tilespmem:s21+$0xFFFFFFF0];
	_ =	sdelay $0x7  }
0x8b: {  	v0 =	vld.idx.msk [tilespmem:v0+s3+$0x0], $0xffff;
	_ =	sdelay $0x4  }
0x8c: {  	[tilespmem:s22+$0xA10] =	vst v0  }
0x8d: {  	v0 =	vld [tilespmem:s20+$0x0];
	_ =	sdelay $0x7  }
0x8e: {  	v0 =	vld.idx.msk [tilespmem:v0+s3+$0x0], $0xffff;
	_ =	sdelay $0x4  }
0x8f: {  	v0 =	vadd.s32 $0x2800, v0  }
0x90: {  	[tilespmem:s22+$0x20] =	vst v0  }
0x91: {  	v0 =	vld [tilespmem:s21+$0x0];
	_ =	sdelay $0x7  }
0x92: {  	v0 =	vld.idx.msk [tilespmem:v0+s3+$0x0], $0xffff;
	_ =	sdelay $0x4  }
0x93: {  	[tilespmem:s22+$0xA20] =	vst v0  }
0x94: {  	v0 =	vld [tilespmem:s20+$0x10];
	_ =	sdelay $0x7  }
0x95: {  	v0 =	vld.idx.msk [tilespmem:v0+s3+$0x0], $0xffff;
	_ =	sdelay $0x4  }
0x96: {  	v0 =	vadd.s32 $0x2800, v0  }
0x97: {  	[tilespmem:s22+$0x30] =	vst v0  }
0x98: {  	v0 =	vld [tilespmem:s21+$0x10];
	_ =	sdelay $0x7  }
0x99: {  	p0 =	sne.s32 s23, $0x9C0;
	v0 =	vld.idx.msk [tilespmem:v0+s3+$0x0], $0xffff  }
.Ltmp0:
0x9a: {  	_ = 	snop;
	(pc) =	sbr.rel @p0 .LBB2_2-.Ltmp0, $3  }
0x9b: {  	_ =	sdelay $0x1  }
0x9c: {  	s23 =	sadd.s32 $0x40, s23  }
0x9d: {  	s20 =	sadd.s32 $0x40, s20;
	s21 =	sadd.s32 $0x40, s21;
	[tilespmem:s22+$0xA30] =	vst v0;
	s22 =	sadd.s32 $0x40, s22  }
0x9e: {  	[hbm4b:s9+s3] =	stream.linear.scatter [tilespmem:s17], [sflag:$0x2], $0x1400, $0x38;
	[tilespmem:$0x5380] =	vst v63  }
0x9f: {  	s19 =	sadd.s32 $0x1, s19  }
0xa0: {  	_ =	swait.ge [sflag:s18], $0x200;
	p0 =	sne.s32 s19, s10  }
.Ltmp1:
0xa1: {  	[sflag:s18] =	ssyncset.done $0x0;
	(pc) =	sbr.rel @p0 .LBB2_1-.Ltmp1, $4  }
0xa2: {  	[sflag:s18] =	ssyncadd.s32 $0xFFFFFE00  }
0xa3: {  	_ =	swait.ge [sflag:s18], $0x1400  }
0xa4: {  	[sflag:s18] =	ssyncset.done $0x0  }
0xa5: {  	[sflag:s18] =	ssyncadd.s32 $0xFFFFEC00  }
0xa6: {  	_ =	sfence.sel $0x180000  }
0xa7: {  	[bflag:$0x0] =	sbarrier.arrive $0xFFFF  }
0xa8: {  	p0 =	sne.s32 s2, $0x0;
	_ =	strace $0x90000047  }
0xa9: {  	s0 =	sadd.s32 @!p0 $0x100000, s0;
	[bflag:$0x2] =	sbarrier.arrive $0xFFFF  }
0xaa: {  	[sflag:s0] =	ssyncadd.tile.s32 @!p0 $0x1;
	_ =	shalt  }
.Lfunc_end2:
_tile_overlayer_lowered:
.L_overlay_start_2:
0xab: {  	(tag) =	ssettag $0x2  }
0xac: {  	s0 =	rddreg [dreg:$0x0];
	s2 =	stileid.u32  }
0xad: {  	s1 =	rddreg [dreg:$0x1];
	p0 =	sne.s32 s2, $0x0  }
0xae: {  	s3 =	rddreg [dreg:$0x2];
	[bflag:$0x3] =	sbarrier.arrive $0xFFFF;
	s2 =	simm.s32 @!p0 $0x1C03  }
0xaf: {  	[timem:s3], [sflag:s2] =	dma.local @!p0 [hbm:s0], s1  }
0xb0: {  	s0 =	simm.s32 @!p0 $0x3  }
0xb1: {  	_ =	swait.ge @!p0 [sflag:s0], s1  }
0xb2: {  	s1 =	ssub.s32 @!p0 $0x0, s1;
	[sflag:s0] =	ssyncset.done @!p0 $0x0  }
0xb3: {  	[sflag:s0] =	ssyncadd.s32 @!p0 s1  }
0xb4: {  	[bflag:$0x3] =	sbarrier.arrive $0xFFFF  }
0xb5: {  	_ =	shalt  }

// kernel: kernel.9.cloned.1.call-start
scs
__scs_entry_jumppad:
0x0: {  	(pc) =	sbr.rel $0x88, $3  }
0x1: {  	(tag) =	ssettag $0x0;
	lr =	simm.s32 $0x1  }
0x2: {  	[smem:$0x3F98] =	sst lr;
	_ =	strace $0xD0000000  }
0x3: {  	_ = 	snop  }
0x4: {  	_ = 	snop  }
0x5: {  	_ = 	snop  }
0x6: {  	_ = 	snop  }
0x7: {  	_ = 	snop  }
__scs_overlays_trampoline_lowered:
0x8: {  	[smem:$0x3FA7] =	sst s0  }
0x9: {  	[smem:$0x3FA8] =	sst s1  }
0xa: {  	[smem:$0x3FA9] =	sst s2  }
0xb: {  	[smem:$0x3FAA] =	sst s3  }
0xc: {  	[smem:$0x3FAB] =	sst s4  }
0xd: {  	[smem:$0x3FAC] =	sst s5  }
0xe: {  	[smem:$0x3FAD] =	sst s6  }
0xf: {  	[smem:$0x3FAE] =	sst s7  }
0x10: {  	[smem:$0x3FAF] =	sst s8  }
0x11: {  	[smem:$0x3FB0] =	sst s9;
	s0 =	simm.s32 @!p0 $0x0  }
0x12: {  	s1 =	sld [smem:$0x3F96];
	s0 =	simm.s32 @p0 $0x1  }
0x13: {  	[smem:$0x3FB1] =	sst s0;
	s0 =	simm.s32 @!p1 $0x0  }
0x14: {  	s2 =	sld [smem:$0x3F95];
	s0 =	simm.s32 @p1 $0x1  }
0x15: {  	[smem:$0x3FB2] =	sst s0;
	s0 =	simm.s32 @!p2 $0x0  }
0x16: {  	s3 =	sld [smem:$0x3FDB];
	s0 =	simm.s32 @p2 $0x1  }
0x17: {  	s4 =	simm.s32 $0x1BF5;
	[smem:$0x3FB4] =	sst s0  }
0x18: {  	s0 =	sld [smem:$0x3F97];
	_ =	swait.ge [sflag:s4], $0x0  }
0x19: {  	s7 =	sld [smem:$0x3F98]  }
0x1a: {  	s8 =	sadd.s32 $0xFFFFE003, lr  }
0x1b: {  	s9 =	sadd.s32 $0xFFFFFEF7, lr;
	s5 =	simm.s32 $0xFFFFFFFF;
	p2 =	slt.u32 s8, $0xFFFFF086  }
0x1c: {  	p1 =	slt.u32 s9, $0xF7A;
	s5 =	simm.s32 @!p2 $0x0  }
0x1d: {  	s5 =	simm.s32 @p1 $0x1;
	p0 =	seq.s32 s7, s2  }
0x1e: {  	s7 =	smul.u32 @!p0 $0xF7A, s2;
	p2 =	seq.s32 @!p0 s5, $0x0  }
0x1f: {  	s9 =	smul.u32 $0xF7A, s1;
	s8 =	simm.s32 @!p0 $0x1BF5;
	p2 =	por !p2, p0  }
0x20: {  	[sflag:s8] =	ssyncset.s32 @!p0 $0xFFFFF086;
	s6 =	sadd.s32 @!p0 s3, s7;
	s7 =	simm.s32 @!p0 $0x108  }
0x21: {  	s3 =	sadd.s32 s3, s9;
	s6 =	sadd.s32 @!p0 $0x88, s6;
	s7 =	simm.s32 @p2 $0x1082  }
0x22: {  	[simem:s7], [sflag:s8] =	dma.local @!p0 [hbm:s6], $0xF7A  }
0x23: {  	s9 =	sor.u32 $0xD0000000, s2;
	s6 =	simm.s32 $0x108;
	_ =	swait.ge @!p0 [sflag:s8], $0x0  }
0x24: {  	s3 =	sadd.s32 $0x88, s3;
	s6 =	simm.s32 @!p1 $0x1082;
	[sflag:s4] =	ssyncset.s32 $0xFFFFF086  }
0x25: {  	[simem:s6], [sflag:s4] =	dma.local [hbm:s3], $0xF7A  }
0x26: {  	[smem:$0x3F98] =	sst s1;
	(tag) =	ssettag s2;
	_ =	strace s9  }
0x27: {  	s1 =	sld [smem:$0x3FA8]  }
0x28: {  	s2 =	sld [smem:$0x3FA9]  }
0x29: {  	s4 =	sld [smem:$0x3FAB]  }
0x2a: {  	p0 =	seq.s32 s5, $0x0;
	s5 =	sld [smem:$0x3FAC]  }
0x2b: {  	s6 =	sld [smem:$0x3FAD]  }
0x2c: {  	s7 =	sld [smem:$0x3FAE]  }
0x2d: {  	s3 =	simm.s32 $0x108;
	s8 =	sld [smem:$0x3FAF]  }
0x2e: {  	s3 =	simm.s32 @!p0 $0x1082;
	s9 =	sld [smem:$0x3FB0]  }
0x2f: {  	lr =	sadd.s32 s0, s3;
	s0 =	sld [smem:$0x3FA7]  }
0x30: {  	s3 =	sld [smem:$0x3FAA]  }
0x31: {  	[smem:$0x3FB3] =	sst s10  }
0x32: {  	s10 =	sld [smem:$0x3FB1];
	_ =	sdelay $0x3  }
0x33: {  	p0 =	seq.s32 s10, $0x1;
	s10 =	sld [smem:$0x3FB3];
	_ =	sdelay $0x3  }
0x34: {  	[smem:$0x3FB3] =	sst s10  }
0x35: {  	s10 =	sld [smem:$0x3FB2];
	_ =	sdelay $0x3  }
0x36: {  	p1 =	seq.s32 s10, $0x1;
	s10 =	sld [smem:$0x3FB3];
	_ =	sdelay $0x3  }
0x37: {  	[smem:$0x3FB3] =	sst s10  }
0x38: {  	s10 =	sld [smem:$0x3FB4]  }
0x39: {  	_ = 	snop;
	(pc) =	sbr.ind lr, $3  }
0x3a: {  	_ = 	snop  }
0x3b: {  	_ = 	snop  }
0x3c: {  	p2 =	seq.s32 s10, $0x1;
	s10 =	sld [smem:$0x3FB3]  }
0x3d: {  	_ =	shalt  }
0x3e: {  	_ =	shalt  }
0x3f: {  	_ =	shalt  }
0x40: {  	_ =	shalt  }
0x41: {  	_ =	shalt  }
0x42: {  	_ =	shalt  }
0x43: {  	_ =	shalt  }
0x44: {  	_ =	shalt  }
0x45: {  	_ =	shalt  }
0x46: {  	_ =	shalt  }
0x47: {  	_ =	shalt  }
0x48: {  	_ =	shalt  }
0x49: {  	_ =	shalt  }
0x4a: {  	_ =	shalt  }
0x4b: {  	_ =	shalt  }
0x4c: {  	_ =	shalt  }
0x4d: {  	_ =	shalt  }
0x4e: {  	_ =	shalt  }
0x4f: {  	_ =	shalt  }
0x50: {  	_ =	shalt  }
0x51: {  	_ =	shalt  }
0x52: {  	_ =	shalt  }
0x53: {  	_ =	shalt  }
0x54: {  	_ =	shalt  }
0x55: {  	_ =	shalt  }
0x56: {  	_ =	shalt  }
0x57: {  	_ =	shalt  }
0x58: {  	_ =	shalt  }
0x59: {  	_ =	shalt  }
0x5a: {  	_ =	shalt  }
0x5b: {  	_ =	shalt  }
0x5c: {  	_ =	shalt  }
0x5d: {  	_ =	shalt  }
0x5e: {  	_ =	shalt  }
0x5f: {  	_ =	shalt  }
0x60: {  	_ =	shalt  }
0x61: {  	_ =	shalt  }
0x62: {  	_ =	shalt  }
0x63: {  	_ =	shalt  }
0x64: {  	_ =	shalt  }
0x65: {  	_ =	shalt  }
0x66: {  	_ =	shalt  }
0x67: {  	_ =	shalt  }
0x68: {  	_ =	shalt  }
0x69: {  	_ =	shalt  }
0x6a: {  	_ =	shalt  }
0x6b: {  	_ =	shalt  }
0x6c: {  	_ =	shalt  }
0x6d: {  	_ =	shalt  }
0x6e: {  	_ =	shalt  }
0x6f: {  	_ =	shalt  }
0x70: {  	_ =	shalt  }
0x71: {  	_ =	shalt  }
0x72: {  	_ =	shalt  }
0x73: {  	_ =	shalt  }
0x74: {  	_ =	shalt  }
0x75: {  	_ =	shalt  }
0x76: {  	_ =	shalt  }
0x77: {  	_ =	shalt  }
0x78: {  	_ =	shalt  }
0x79: {  	_ =	shalt  }
0x7a: {  	_ =	shalt  }
0x7b: {  	_ =	shalt  }
0x7c: {  	_ =	shalt  }
0x7d: {  	_ =	shalt  }
0x7e: {  	_ =	shalt  }
0x7f: {  	_ =	shalt  }
0x80: {  	_ =	shalt  }
0x81: {  	_ =	shalt  }
0x82: {  	_ =	shalt  }
0x83: {  	_ =	shalt  }
0x84: {  	_ =	shalt  }
0x85: {  	_ =	shalt  }
0x86: {  	_ =	shalt  }
0x87: {  	_ =	shalt  }
.Lfunc_end0:
.L_simem_size_0:
called_computation.1_lowered:
.L_overlay_start_0:
0x88: {  	s2 =	sld [smem:$0x3FD9]  }
0x89: {  	s3 =	sld [smem:$0x3FFE];
	_ =	sdelay $0x1  }
0x8a: {  	s1 =	srdreg.scid  }
0x8b: {  	s0 =	sand.u32 $0x1, s1  }
0x8c: {  	s16 =	sshll.u32 s0, $0xA;
	s2 =	sadd.s32 s3, s2  }
0x8d: {  	s2 =	sadd.s32 s2, s16  }
0x8e: {  	[smem:$0x3FBF] =	sst s2  }
0x8f: {  	_ = 	snop  }
0x90: {  	(tm) =	ssettm $0x1  }
0x91: {  	s17 =	sld [smem:$0x3FFB];
	_ =	sdelay $0x3  }
0x92: {  	_ =	strace s17  }
0x93: {  	s2 =	sld [smem:$0x3FFC];
	_ =	sdelay $0x3  }
0x94: {  	_ =	strace s2  }
0x95: {  	s2 =	sld [smem:$0x3FFD];
	_ =	sdelay $0x3  }
0x96: {  	_ =	strace s2  }
0x97: {  	_ =	strace $0x8FFFFFFF  }
0x98: {  	s18 =	sld [smem:$0x3FDB];
	_ =	sdelay $0x1  }
0x99: {  	s19 =	simm.s32 $_scs_section_size  }
0x9a: {  	s4 =	simm.s32 $_size__tile_overlayer_lowered;
	s5 =	simm.s32 $_tile_overlayer_lowered  }
0x9b: {  	s22 =	simm.s32 $0x1BFF;
	s21 =	sshll.u32 s5, $0x1;
	s2 =	sadd.s32 s19, s18  }
0x9c: {  	s6 =	simm.s32 $0x0;
	s20 =	sshll.u32 s4, $0x1;
	s4 =	sadd.s32 s21, s2  }
0x9d: {  	[timem:s6], [sflag:s22] =	dma.local [hbm:s4], s20  }
0x9e: {  	_ =	swait.ge [sflag:s22], s20  }
0x9f: {  	s3 =	ssub.s32 $0x0, s20;
	[sflag:s22] =	ssyncset.done $0x0  }
0xa0: {  	[sflag:s22] =	ssyncadd.s32 s3;
	_ =	sdelay $0x1  }
0xa1: {  	s23 =	simm.s32 $0x1B8B  }
0xa2: {  	_ =	swait.ge [sflag:s23], $0x1  }
0xa3: {  	[sflag:s23] =	ssyncset.done $0x0  }
0xa4: {  	s25 =	simm.s32 $0x1B8E;
	s24 =	sld [smem:$0x3FFE];
	[sflag:s23] =	ssyncadd.s32 $0xFFFFFFFF  }
0xa5: {  	s26 =	simm.s32 $execute0_lowered;
	[smem:$0x3FD2] =	sst s25  }
0xa6: {  	s4 =	sshll.u32 s26, $0x1;
	_ =	strace $0x80000049;
	[dreg:$0x1] =	wrdreg $0xFFFFFFFF  }
0xa7: {  	s28 =	simm.s32 $_size_execute0_lowered;
	s2 =	sadd.s32 s2, s4;
	[dreg:$0x0] =	wrdreg $0x0  }
0xa8: {  	s4 =	sshll.u32 s28, $0x1;
	[dreg:$0x2] =	wrdreg s2  }
0xa9: {  	[dreg:$0x3] =	wrdreg s4  }
0xaa: {  	[dreg:$0x4] =	wrdreg $0xC0  }
0xab: {  	_ =	task [dreg:s6], $0x5FFFF  }
0xac: {  	[dreg:$0x1] =	wrdreg $0xFFFFFFFF  }
0xad: {  	[dreg:$0x0] =	wrdreg $0x60  }
0xae: {  	[dreg:$0x2] =	wrdreg s24  }
0xaf: {  	[dreg:$0x3] =	wrdreg $0x9  }
0xb0: {  	_ =	task.clear_ibuf [dreg:s6], $0x4FFFF;
	_ =	strace $0x90000049  }
0xb1: {  	s29 =	simm.s32 $0x9;
	_ =	strace $0x8000004B  }
0xb2: {  	_ =	swait.ge [sflag:s29], $0x1  }
0xb3: {  	[sflag:s29] =	ssyncadd.s32 $0xFFFFFFFF  }
0xb4: {  	_ =	strace $0x9000004B  }
0xb5: {  	_ =	sfence  }
0xb6: {  	s30 =	sld [smem:$0x0];
	_ =	sdelay $0x2  }
0xb7: {  	s31 =	sshll.u32 s1, $0xD;
	s1 =	sshrl.u32 s1, $0x2  }
0xb8: {  	s3 =	sand.u32 $0x4000, s31;
	s1 =	sadd.s32 s1, s30  }
0xb9: {  	s0 =	sor.u32 s3, s0;
	s1 =	sshll.u32 s1, $0x11  }
0xba: {  	s0 =	sor.u32 s1, s0  }
0xbb: {  	s0 =	sadd.s32 $0x8F2B, s0  }
0xbc: {  	[sflag:s0] =	ssyncadd.remote.s32 $0x1  }
0xbd: {  	_ =	sfence.sel $0xFFFF  }
0xbe: {  	[dreg:$0x0] =	wrdreg $0xFFFFFFFF;
	(pc) =	sbr.abs _section_cstart, $3  }
0xbf: {  	[dreg:$0x1] =	wrdreg $0xFFFFFFFF  }
0xc0: {  	_ =	task.clear_ibuf [dreg:s6], $0x2FFFF;
	_ =	strace $0x9FFFFFFF  }
0xc1: {  	(tm) =	ssettm $0x7FFFFFFF  }
tec
execute0_lowered:
.L_overlay_start_1:
0x0: {  	(tag) =	ssettag $0x1  }
0x1: {  	s4 =	rddreg [dreg:$0x0]  }
0x2: {  	s0 =	rddreg [dreg:$0x1]  }
0x3: {  	s3 =	srdreg.scid;
	s1 =	stileid.u32;
	s2 =	simm.s32 $0x0  }
0x4: {  	s12 =	simm.s32 $0x6800;
	s13 =	simm.s32 $0x2;
	s14 =	simm.s32 $0x6600  }
0x5: {  	s15 =	simm.s32 $0x6700;
	s16 =	simm.s32 $0x6900;
	s17 =	simm.s32 $0x7300  }
0x6: {  	s18 =	simm.s32 $0x3;
	s19 =	simm.s32 $0x0;
	s5 =	sand.u32 $0x1, s3  }
0x7: {  	s31 =	sshll.u32 s1, $0x1;
	[smem:$0x7FF] =	sst s2;
	s3 =	sadd.s32 $0x7600, s4  }
0x8: {  	s6 =	sor.u32 s5, s31;
	_ =	strace $0x8000004A;
	s5 =	ssub.s32 $0x2, s5  }
0x9: {  	s7 =	sshll.u32 s6, $0x6;
	s8 =	smul.u32 $0x280, s6;
	s9 =	sshll.u32 s6, $0x5  }
0xa: {  	s6 =	smul.u32 $0x140, s6;
	s10 =	sshrl.u32 s5, $0x1;
	s7 =	sadd.s32 s7, s4  }
0xb: {  	s9 =	sadd.s32 s9, s4;
	s10 =	ssub.s32 s5, s10;
	s8 =	sadd.s32 s8, s4  }
0xc: {  	s11 =	sadd.s32 s6, s4;
	s4 =	sadd.s32 $0x1E00, s7;
	s6 =	sadd.s32 $0xD000, s9  }
0xd: {  	v0 =	vlaneseq.u32;
	s9 =	smax.u32 s10, $0x1;
	s10 =	simm.s32 $0x5000;
	s5 =	sadd.s32 $0x2600, s8  }
0xe: {  	v0 =	vmul.u32 $0x199A, v0;
	s7 =	sadd.s32 $0x8000, s11;
	s8 =	sadd.s32 $0xA800, s11;
	s11 =	simm.s32 $0x1  }
.LBB2_1:
0xf: {  	[tilespmem:s10], [sflag:$0x1] =	stream.linear.gather [hbm4b:s4+s2], $0x200, $0x38;
	[tilespmem:$0x7D00] =	vst v63  }
0x10: {  	_ = 	snop  }
0x11: {  	[tilespmem:s2], [sflag:$0x1] =	stream.linear.gather [hbm4b:s3+s2], $0x5000, $0x38;
	[tilespmem:$0x7D00] =	vst v63  }
0x12: {  	s20 =	simm.s32 $0x5200  }
0x13: {  	[tilespmem:s20], [sflag:$0x2] =	stream.linear.gather [hbm4b:s5+s2], $0x1400, $0x38;
	[tilespmem:$0x7D00] =	vst v63  }
0x14: {  	_ =	swait.ge [sflag:s11], $0x200  }
0x15: {  	[sflag:s11] =	ssyncset.done $0x0  }
0x16: {  	[sflag:s11] =	ssyncadd.s32 $0xFFFFFE00  }
0x17: {  	_ =	swait.ge [sflag:s11], $0x5000  }
0x18: {  	[sflag:s11] =	ssyncset.done $0x0  }
0x19: {  	[sflag:s11] =	ssyncadd.s32 $0xFFFFB000  }
0x1a: {  	v1 =	vld [tilespmem:$0x5000]  }
0x1b: {  	v2 =	vld [tilespmem:$0x5100];
	_ =	sdelay $0x5  }
0x1c: {  	v3 =	vld [tilespmem:$0x5010]  }
0x1d: {  	v1 =	vld.idx.msk [tilespmem:v1+s2+$0x0], $0xffff  }
0x1e: {  	v2 =	vld.idx.msk [tilespmem:v2+s2+$0x0], $0xffff  }
0x1f: {  	v4 =	vld [tilespmem:$0x5110];
	_ =	sdelay $0x3  }
0x20: {  	[tilespmem:$0x6600] =	vst v1;
	v1 =	vadd.f32 v2, v1  }
0x21: {  	[tilespmem:$0x6700] =	vst v2  }
0x22: {  	[tilespmem:$0x6800] =	vst v1  }
0x23: {  	v1 =	vld.idx.msk [tilespmem:v3+s2+$0x0], $0xffff  }
0x24: {  	v2 =	vld.idx.msk [tilespmem:v4+s2+$0x0], $0xffff  }
0x25: {  	v3 =	vld [tilespmem:$0x5020]  }
0x26: {  	v50 =	vld [tilespmem:$0x5120];
	_ =	sdelay $0x3  }
0x27: {  	[tilespmem:$0x6610] =	vst v1;
	v1 =	vadd.f32 v2, v1  }
0x28: {  	[tilespmem:$0x6710] =	vst v2  }
0x29: {  	[tilespmem:$0x6810] =	vst v1  }
0x2a: {  	v1 =	vld.idx.msk [tilespmem:v3+s2+$0x0], $0xffff  }
0x2b: {  	v2 =	vld.idx.msk [tilespmem:v50+s2+$0x0], $0xffff  }
0x2c: {  	v3 =	vld [tilespmem:$0x5030]  }
0x2d: {  	v51 =	vld [tilespmem:$0x5130];
	_ =	sdelay $0x3  }
0x2e: {  	[tilespmem:$0x6620] =	vst v1;
	v1 =	vadd.f32 v2, v1  }
0x2f: {  	[tilespmem:$0x6720] =	vst v2  }
0x30: {  	[tilespmem:$0x6820] =	vst v1  }
0x31: {  	v1 =	vld.idx.msk [tilespmem:v3+s2+$0x0], $0xffff  }
0x32: {  	v2 =	vld.idx.msk [tilespmem:v51+s2+$0x0], $0xffff  }
0x33: {  	v3 =	vld [tilespmem:$0x5040]  }
0x34: {  	v52 =	vld [tilespmem:$0x5140];
	_ =	sdelay $0x3  }
0x35: {  	[tilespmem:$0x6630] =	vst v1;
	v1 =	vadd.f32 v2, v1  }
0x36: {  	[tilespmem:$0x6730] =	vst v2  }
0x37: {  	[tilespmem:$0x6830] =	vst v1  }
0x38: {  	v1 =	vld.idx.msk [tilespmem:v3+s2+$0x0], $0xffff  }
0x39: {  	v2 =	vld.idx.msk [tilespmem:v52+s2+$0x0], $0xffff  }
0x3a: {  	v3 =	vld [tilespmem:$0x5050]  }
0x3b: {  	v53 =	vld [tilespmem:$0x5150];
	_ =	sdelay $0x3  }
0x3c: {  	[tilespmem:$0x6640] =	vst v1;
	v1 =	vadd.f32 v2, v1  }
0x3d: {  	[tilespmem:$0x6740] =	vst v2  }
0x3e: {  	[tilespmem:$0x6840] =	vst v1  }
0x3f: {  	v1 =	vld.idx.msk [tilespmem:v3+s2+$0x0], $0xffff  }
0x40: {  	v2 =	vld.idx.msk [tilespmem:v53+s2+$0x0], $0xffff  }
0x41: {  	v3 =	vld [tilespmem:$0x5060]  }
0x42: {  	v54 =	vld [tilespmem:$0x5160];
	_ =	sdelay $0x3  }
0x43: {  	[tilespmem:$0x6650] =	vst v1;
	v1 =	vadd.f32 v2, v1  }
0x44: {  	[tilespmem:$0x6750] =	vst v2  }
0x45: {  	[tilespmem:$0x6850] =	vst v1  }
0x46: {  	v1 =	vld.idx.msk [tilespmem:v3+s2+$0x0], $0xffff  }
0x47: {  	v2 =	vld.idx.msk [tilespmem:v54+s2+$0x0], $0xffff  }
0x48: {  	v3 =	vld [tilespmem:$0x5070]  }
0x49: {  	v55 =	vld [tilespmem:$0x5170];
	_ =	sdelay $0x3  }
0x4a: {  	[tilespmem:$0x6660] =	vst v1;
	v1 =	vadd.f32 v2, v1  }
0x4b: {  	[tilespmem:$0x6760] =	vst v2  }
0x4c: {  	[tilespmem:$0x6860] =	vst v1  }
0x4d: {  	v1 =	vld.idx.msk [tilespmem:v3+s2+$0x0], $0xffff  }
0x4e: {  	v2 =	vld.idx.msk [tilespmem:v55+s2+$0x0], $0xffff  }
0x4f: {  	v3 =	vld [tilespmem:$0x5080]  }
0x50: {  	v56 =	vld [tilespmem:$0x5180];
	_ =	sdelay $0x3  }
0x51: {  	[tilespmem:$0x6670] =	vst v1;
	v1 =	vadd.f32 v2, v1  }
0x52: {  	[tilespmem:$0x6770] =	vst v2  }
0x53: {  	[tilespmem:$0x6870] =	vst v1  }
0x54: {  	v1 =	vld.idx.msk [tilespmem:v3+s2+$0x0], $0xffff  }
0x55: {  	v2 =	vld.idx.msk [tilespmem:v56+s2+$0x0], $0xffff  }
0x56: {  	v3 =	vld [tilespmem:$0x5090]  }
0x57: {  	v57 =	vld [tilespmem:$0x5190];
	_ =	sdelay $0x3  }
0x58: {  	[tilespmem:$0x6680] =	vst v1;
	v1 =	vadd.f32 v2, v1  }
0x59: {  	[tilespmem:$0x6780] =	vst v2  }
0x5a: {  	[tilespmem:$0x6880] =	vst v1  }
0x5b: {  	v1 =	vld.idx.msk [tilespmem:v3+s2+$0x0], $0xffff  }
0x5c: {  	v2 =	vld.idx.msk [tilespmem:v57+s2+$0x0], $0xffff  }
0x5d: {  	v3 =	vld [tilespmem:$0x50A0]  }
0x5e: {  	v58 =	vld [tilespmem:$0x51A0];
	_ =	sdelay $0x3  }
0x5f: {  	[tilespmem:$0x6690] =	vst v1;
	v1 =	vadd.f32 v2, v1  }
0x60: {  	[tilespmem:$0x6790] =	vst v2  }
0x61: {  	[tilespmem:$0x6890] =	vst v1  }
0x62: {  	v1 =	vld.idx.msk [tilespmem:v3+s2+$0x0], $0xffff  }
0x63: {  	v2 =	vld.idx.msk [tilespmem:v58+s2+$0x0], $0xffff  }
0x64: {  	v3 =	vld [tilespmem:$0x50B0]  }
0x65: {  	v59 =	vld [tilespmem:$0x51B0];
	_ =	sdelay $0x3  }
0x66: {  	[tilespmem:$0x66A0] =	vst v1;
	v1 =	vadd.f32 v2, v1  }
0x67: {  	[tilespmem:$0x67A0] =	vst v2  }
0x68: {  	[tilespmem:$0x68A0] =	vst v1  }
0x69: {  	v1 =	vld.idx.msk [tilespmem:v3+s2+$0x0], $0xffff  }
0x6a: {  	v2 =	vld.idx.msk [tilespmem:v59+s2+$0x0], $0xffff  }
0x6b: {  	v3 =	vld [tilespmem:$0x50C0]  }
0x6c: {  	v60 =	vld [tilespmem:$0x51C0];
	_ =	sdelay $0x3  }
0x6d: {  	[tilespmem:$0x66B0] =	vst v1;
	v1 =	vadd.f32 v2, v1  }
0x6e: {  	[tilespmem:$0x67B0] =	vst v2  }
0x6f: {  	[tilespmem:$0x68B0] =	vst v1  }
0x70: {  	v1 =	vld.idx.msk [tilespmem:v3+s2+$0x0], $0xffff  }
0x71: {  	v2 =	vld.idx.msk [tilespmem:v60+s2+$0x0], $0xffff  }
0x72: {  	v3 =	vld [tilespmem:$0x50D0]  }
0x73: {  	v61 =	vld [tilespmem:$0x51D0];
	_ =	sdelay $0x3  }
0x74: {  	[tilespmem:$0x66C0] =	vst v1;
	v1 =	vadd.f32 v2, v1  }
0x75: {  	[tilespmem:$0x67C0] =	vst v2  }
0x76: {  	[tilespmem:$0x68C0] =	vst v1  }
0x77: {  	v1 =	vld.idx.msk [tilespmem:v3+s2+$0x0], $0xffff  }
0x78: {  	v2 =	vld.idx.msk [tilespmem:v61+s2+$0x0], $0xffff  }
0x79: {  	v3 =	vld [tilespmem:$0x50E0]  }
0x7a: {  	v62 =	vld [tilespmem:$0x51E0];
	_ =	sdelay $0x3  }
0x7b: {  	[tilespmem:$0x66D0] =	vst v1;
	v1 =	vadd.f32 v2, v1  }
0x7c: {  	[tilespmem:$0x67D0] =	vst v2  }
0x7d: {  	[tilespmem:$0x68D0] =	vst v1  }
0x7e: {  	v1 =	vld.idx.msk [tilespmem:v3+s2+$0x0], $0xffff  }
0x7f: {  	v2 =	vld.idx.msk [tilespmem:v62+s2+$0x0], $0xffff  }
0x80: {  	v3 =	vld [tilespmem:$0x50F0]  }
0x81: {  	v63 =	vld [tilespmem:$0x51F0];
	_ =	sdelay $0x3  }
0x82: {  	[tilespmem:$0x66E0] =	vst v1;
	v1 =	vadd.f32 v2, v1  }
0x83: {  	[tilespmem:$0x67E0] =	vst v2  }
0x84: {  	[tilespmem:$0x68E0] =	vst v1  }
0x85: {  	v1 =	vld.idx.msk [tilespmem:v3+s2+$0x0], $0xffff  }
0x86: {  	v2 =	vld.idx.msk [tilespmem:v63+s2+$0x0], $0xffff;
	_ =	sdelay $0x4  }
0x87: {  	[tilespmem:$0x66F0] =	vst v1;
	v1 =	vadd.f32 v2, v1  }
0x88: {  	[tilespmem:$0x67F0] =	vst v2  }
0x89: {  	[tilespmem:$0x68F0] =	vst v1  }
0x8a: {  	[hbm4b:s6+s2] =	stream.linear.scatter [tilespmem:s12], [sflag:$0x3], $0x100, $0x38;
	[tilespmem:$0x7D00] =	vst v63  }
0x8b: {  	_ =	swait.ge [sflag:s13], $0x1400  }
0x8c: {  	s21 =	simm.s32 $0x30;
	[sflag:s13] =	ssyncset.done $0x0  }
0x8d: {  	s22 =	simm.s32 $0x6920;
	s23 =	simm.s32 $0x7320;
	[sflag:s13] =	ssyncadd.s32 $0xFFFFEC00  }
.LBB2_2:
0x8e: {  	s24 =	sadd.s32 $0xFFFFFFD0, s21  }
0x8f: {  	v1 =	vmov s24  }
0x90: {  	v1 =	vmul.u32 $0x199A, v1  }
0x91: {  	v2 =	vld [tilespmem:s20+$0x0]  }
0x92: {  	v1 =	vbroadcast v1, $0x0;
	_ =	sdelay $0x1  }
0x93: {  	v1 =	vadd.s32 v0, v1  }
0x94: {  	v1 =	vshrl.u32 v1, $0x10;
	_ =	sdelay $0x3  }
0x95: {  	v2 =	vld.idx.msk [tilespmem:v2+s2+$0x0], $0xffff  }
0x96: {  	v3 =	vld.idx.msk [tilespmem:v1+s14+$0x0], $0xffff;
	_ =	sdelay $0x4  }
0x97: {  	v2 =	vadd.f32 v2, v3;
	_ =	sdelay $0x1  }
0x98: {  	s24 =	sand.u32 $0xFC0, s24;
	[tilespmem:s22+$0xFFFFFFE0] =	vst v2  }
0x99: {  	v2 =	vld [tilespmem:s24+$0x5C00];
	_ =	sdelay $0x6  }
0x9a: {  	v1 =	vld.idx.msk [tilespmem:v1+s15+$0x0], $0xffff  }
0x9b: {  	v2 =	vld.idx.msk [tilespmem:v2+s2+$0x0], $0xffff;
	_ =	sdelay $0x2  }
0x9c: {  	s30 =	sadd.s32 $0xFFFFFFE0, s21  }
0x9d: {  	v3 =	vmov s30  }
0x9e: {  	v1 =	vadd.f32 v1, v2;
	v2 =	vmul.u32 $0x199A, v3;
	_ =	sdelay $0x1  }
0x9f: {  	[tilespmem:s23+$0xFFFFFFE0] =	vst v1;
	v1 =	vbroadcast v2, $0x0  }
0xa0: {  	v2 =	vld [tilespmem:s20+$0x10]  }
0xa1: {  	v1 =	vadd.s32 v0, v1  }
0xa2: {  	v1 =	vshrl.u32 v1, $0x10;
	_ =	sdelay $0x4  }
0xa3: {  	v3 =	vld.idx.msk [tilespmem:v1+s14+$0x0], $0xffff  }
0xa4: {  	v2 =	vld.idx.msk [tilespmem:v2+s2+$0x0], $0xffff;
	_ =	sdelay $0x4  }
0xa5: {  	v2 =	vadd.f32 v2, v3;
	_ =	sdelay $0x1  }
0xa6: {  	[tilespmem:s22+$0xFFFFFFF0] =	vst v2  }
0xa7: {  	v2 =	vld [tilespmem:s20+$0xA10];
	_ =	sdelay $0x6  }
0xa8: {  	v1 =	vld.idx.msk [tilespmem:v1+s15+$0x0], $0xffff  }
0xa9: {  	v2 =	vld.idx.msk [tilespmem:v2+s2+$0x0], $0xffff;
	_ =	sdelay $0x2  }
0xaa: {  	s31 =	sadd.s32 $0xFFFFFFF0, s21  }
0xab: {  	v3 =	vmov s31  }
0xac: {  	v1 =	vadd.f32 v1, v2;
	v2 =	vmul.u32 $0x199A, v3;
	_ =	sdelay $0x1  }
0xad: {  	[tilespmem:s23+$0xFFFFFFF0] =	vst v1;
	v1 =	vbroadcast v2, $0x0  }
0xae: {  	v2 =	vld [tilespmem:s20+$0x20]  }
0xaf: {  	v1 =	vadd.s32 v0, v1  }
0xb0: {  	v1 =	vshrl.u32 v1, $0x10;
	_ =	sdelay $0x4  }
0xb1: {  	v3 =	vld.idx.msk [tilespmem:v1+s14+$0x0], $0xffff  }
0xb2: {  	v2 =	vld.idx.msk [tilespmem:v2+s2+$0x0], $0xffff;
	_ =	sdelay $0x4  }
0xb3: {  	v2 =	vadd.f32 v2, v3;
	_ =	sdelay $0x1  }
0xb4: {  	[tilespmem:s22+$0x0] =	vst v2  }
0xb5: {  	v2 =	vld [tilespmem:s20+$0xA20];
	_ =	sdelay $0x6  }
0xb6: {  	v1 =	vld.idx.msk [tilespmem:v1+s15+$0x0], $0xffff  }
0xb7: {  	v2 =	vld.idx.msk [tilespmem:v2+s2+$0x0], $0xffff;
	_ =	sdelay $0x3  }
0xb8: {  	v3 =	vmov s21  }
0xb9: {  	v1 =	vadd.f32 v1, v2;
	v2 =	vmul.u32 $0x199A, v3;
	_ =	sdelay $0x1  }
0xba: {  	[tilespmem:s23+$0x0] =	vst v1;
	v1 =	vbroadcast v2, $0x0  }
0xbb: {  	v2 =	vld [tilespmem:s20+$0x30]  }
0xbc: {  	v1 =	vadd.s32 v0, v1  }
0xbd: {  	v1 =	vshrl.u32 v1, $0x10;
	_ =	sdelay $0x4  }
0xbe: {  	v3 =	vld.idx.msk [tilespmem:v1+s14+$0x0], $0xffff  }
0xbf: {  	v2 =	vld.idx.msk [tilespmem:v2+s2+$0x0], $0xffff;
	_ =	sdelay $0x4  }
0xc0: {  	v2 =	vadd.f32 v2, v3;
	_ =	sdelay $0x1  }
0xc1: {  	[tilespmem:s22+$0x10] =	vst v2  }
0xc2: {  	v2 =	vld [tilespmem:s20+$0xA30];
	_ =	sdelay $0x6  }
0xc3: {  	v1 =	vld.idx.msk [tilespmem:v1+s15+$0x0], $0xffff  }
0xc4: {  	v2 =	vld.idx.msk [tilespmem:v2+s2+$0x0], $0xffff;
	_ =	sdelay $0x1  }
0xc5: {  	p0 =	sne.s32 s21, $0x9F0  }
.Ltmp0:
0xc6: {  	_ = 	snop;
	(pc) =	sbr.rel @p0 .LBB2_2-.Ltmp0, $4  }
0xc7: {  	_ = 	snop  }
0xc8: {  	v1 =	vadd.f32 v1, v2  }
0xc9: {  	s21 =	sadd.s32 $0x40, s21  }
0xca: {  	s22 =	sadd.s32 $0x40, s22;
	s20 =	sadd.s32 $0x40, s20;
	[tilespmem:s23+$0x10] =	vst v1;
	s23 =	sadd.s32 $0x40, s23  }
0xcb: {  	[hbm4b:s7+s2] =	stream.linear.scatter [tilespmem:s16], [sflag:$0x3], $0xA00, $0x38;
	[tilespmem:$0x7D00] =	vst v63  }
0xcc: {  	_ = 	snop  }
0xcd: {  	[hbm4b:s8+s2] =	stream.linear.scatter [tilespmem:s17], [sflag:$0x3], $0xA00, $0x38;
	[tilespmem:$0x7D00] =	vst v63  }
0xce: {  	_ =	swait.ge [sflag:s18], $0x100  }
0xcf: {  	[sflag:s18] =	ssyncset.done $0x0  }
0xd0: {  	s19 =	sadd.s32 $0x1, s19;
	[sflag:s18] =	ssyncadd.s32 $0xFFFFFF00  }
0xd1: {  	p0 =	sne.s32 s19, s9;
	_ =	swait.ge [sflag:s18], $0xA00  }
.Ltmp1:
0xd2: {  	[sflag:s18] =	ssyncset.done $0x0;
	(pc) =	sbr.rel @p0 .LBB2_1-.Ltmp1, $4  }
0xd3: {  	[sflag:s18] =	ssyncadd.s32 $0xFFFFF600  }
0xd4: {  	_ =	swait.ge [sflag:s18], $0xA00  }
0xd5: {  	[sflag:s18] =	ssyncset.done $0x0  }
0xd6: {  	[sflag:s18] =	ssyncadd.s32 $0xFFFFF600  }
0xd7: {  	_ =	sfence.sel $0x180000  }
0xd8: {  	[bflag:$0x0] =	sbarrier.arrive $0xFFFF  }
0xd9: {  	p0 =	sne.s32 s1, $0x0;
	_ =	strace $0x9000004A  }
0xda: {  	s0 =	sadd.s32 @!p0 $0x100000, s0;
	[bflag:$0x2] =	sbarrier.arrive $0xFFFF  }
0xdb: {  	[sflag:s0] =	ssyncadd.tile.s32 @!p0 $0x1;
	_ =	shalt  }
.Lfunc_end2:
_tile_overlayer_lowered:
.L_overlay_start_2:
0xdc: {  	(tag) =	ssettag $0x2  }
0xdd: {  	s0 =	rddreg [dreg:$0x0];
	s2 =	stileid.u32  }
0xde: {  	s1 =	rddreg [dreg:$0x1];
	p0 =	sne.s32 s2, $0x0  }
0xdf: {  	s3 =	rddreg [dreg:$0x2];
	[bflag:$0x3] =	sbarrier.arrive $0xFFFF;
	s2 =	simm.s32 @!p0 $0x1C04  }
0xe0: {  	[timem:s3], [sflag:s2] =	dma.local @!p0 [hbm:s0], s1  }
0xe1: {  	s0 =	simm.s32 @!p0 $0x4  }
0xe2: {  	_ =	swait.ge @!p0 [sflag:s0], s1  }
0xe3: {  	s1 =	ssub.s32 @!p0 $0x0, s1;
	[sflag:s0] =	ssyncset.done @!p0 $0x0  }
0xe4: {  	[sflag:s0] =	ssyncadd.s32 @!p0 s1  }
0xe5: {  	[bflag:$0x3] =	sbarrier.arrive $0xFFFF  }
0xe6: {  	_ =	shalt  }

</sc_bundles>
